<compile_context>
chip_gen: v7x
topology: tpu7x:2x2x1
jax: 0.10.2.dev20260603
libtpu: 0.0.44.dev20260713+nightly
codegen_flags: <defaults>
</compile_context>

<pallas_src>
import functools

import jax
import jax.numpy as jnp
from jax import lax
from jax.experimental import pallas as pl
from jax.experimental.pallas import tpu as pltpu
from jax.experimental.pallas import tpu_sc as plsc

B = 8
H = W = 224
HW = H * W
S = 1024
CIN = 3
CMID = 128
COUT = 768
SRC = 64
R = 8
BLK = R * W
NB = H // R
NTPB = 4
CH = HW // NTPB
NCH = CH // 16
RP = 32
NBP = H // RP


def _sc_body(seg_hbm, newseg_hbm, counts_hbm, ranks_hbm, histall_hbm,
             ids_v, hist16_v, hist4_v, cnt_v, ranks_v, outbuf_v):
    c = lax.axis_index("c")
    s = lax.axis_index("s")
    b = c * 4 + s // 4
    q = s % 4
    wid = c * 16 + s
    base_row = wid - q

    pltpu.sync_copy(seg_hbm.at[pl.ds(b * HW + q * CH, CH)], ids_v)

    def _zero(i, _):
        for k in range(8):
            hist16_v[pl.ds((i * 8 + k) * 16, 16)] = jnp.zeros((16,), jnp.int32)
        return 0
    lax.fori_loop(0, 128, _zero, 0)

    lane_off = lax.iota(jnp.int32, 16) * S
    ones16 = jnp.ones((16,), jnp.int32)

    def _hist(j, _):
        for k in range(8):
            ids = ids_v[pl.ds((j * 8 + k) * 16, 16)]
            plsc.addupdate_scatter(hist16_v, [ids + lane_off], ones16)
        return 0
    lax.fori_loop(0, NCH // 8, _hist, 0)

    def _fold(i, _):
        acc = hist16_v[pl.ds(i * 16, 16)]
        for r in range(1, 16):
            acc = acc + hist16_v[pl.ds(r * S + i * 16, 16)]
        cnt_v[pl.ds(i * 16, 16)] = acc
        return 0
    lax.fori_loop(0, S // 16, _fold, 0)

    pltpu.sync_copy(cnt_v, histall_hbm.at[pl.ds(wid * S, S)])
    plsc.subcore_barrier()

    @pl.when(q == 0)
    def _phase2():
        pltpu.sync_copy(histall_hbm.at[pl.ds(base_row * S, 4 * S)], hist4_v)

        def _ranks(i, run):
            sl = pl.ds(i * 16, 16)
            h = (hist4_v[pl.ds(i * 16, 16)]
                 + hist4_v[pl.ds(S + i * 16, 16)]
                 + hist4_v[pl.ds(2 * S + i * 16, 16)]
                 + hist4_v[pl.ds(3 * S + i * 16, 16)])
            pres = jnp.where(h > 0, 1, 0).astype(jnp.int32)
            cs = plsc.cumsum(pres)
            ranks_v[sl] = cs - pres + run
            cnt_v[sl] = h
            return run + jnp.sum(pres)
        lax.fori_loop(0, S // 16, _ranks, jnp.int32(0))

        pltpu.sync_copy(ranks_v, ranks_hbm.at[pl.ds(b * S, S)])
        pltpu.sync_copy(cnt_v, counts_hbm.at[pl.ds(b * S, S)])

    plsc.subcore_barrier()

    pltpu.sync_copy(ranks_hbm.at[pl.ds(b * S, S)], ranks_v)

    def _gather(j, _):
        for k in range(8):
            sl = pl.ds((j * 8 + k) * 16, 16)
            outbuf_v[sl] = plsc.load_gather(ranks_v, [ids_v[sl]])
        return 0
    lax.fori_loop(0, NCH // 8, _gather, 0)

    pltpu.sync_copy(outbuf_v, newseg_hbm.at[pl.ds(b * HW + q * CH, CH)])


def _sc_reindex(seg_flat):
    f = pl.kernel(
        _sc_body,
        mesh=plsc.VectorSubcoreMesh(core_axis_name="c", subcore_axis_name="s"),
        compiler_params=pltpu.CompilerParams(needs_layout_passes=False),
        out_type=[
            jax.ShapeDtypeStruct((B * HW,), jnp.int32),
            jax.ShapeDtypeStruct((B * S,), jnp.int32),
            jax.ShapeDtypeStruct((B * S,), jnp.int32),
            jax.ShapeDtypeStruct((32 * S,), jnp.int32),
        ],
        scratch_types=[
            pltpu.VMEM((CH,), jnp.int32),
            pltpu.VMEM((16 * S,), jnp.int32),
            pltpu.VMEM((4 * S,), jnp.int32),
            pltpu.VMEM((S,), jnp.int32),
            pltpu.VMEM((S,), jnp.int32),
            pltpu.VMEM((CH,), jnp.int32),
        ],
    )
    return f(seg_flat)


def _pos_body(pos_ref, wh_ref, ww_ref, out_ref, posw_scr):
    nb = pl.program_id(0)

    @pl.when(nb == 0)
    def _():
        posw_scr[...] = lax.dot_general(
            pos_ref[...], ww_ref[...], (((2,), (0,)), ((), ())),
            preferred_element_type=jnp.float32)

    whb = jnp.broadcast_to(wh_ref[...][None, :, :], (CMID, RP, SRC))
    out_ref[...] = lax.dot_general(
        whb, posw_scr[...], (((2,), (1,)), ((0,), (0,))),
        preferred_element_type=jnp.float32).astype(jnp.bfloat16)


def _main_body(x_ref, seg_ref, pos_ref, wc_ref, cb_ref, acc_ref):
    nb = pl.program_id(0)

    @pl.when(nb == 0)
    def _():
        acc_ref[...] = jnp.zeros_like(acc_ref)

    posr = pos_ref[...]
    iota_s = lax.broadcasted_iota(jnp.int16, (BLK, S), 1)
    one = jnp.bfloat16(1.0)
    zero = jnp.bfloat16(0.0)
    for b in range(B):
        xb = x_ref[b]
        feat = lax.dot_general(wc_ref[...], xb, (((0,), (0,)), ((), ())),
                               preferred_element_type=jnp.float32)
        v = jnp.maximum(feat + cb_ref[...], 0.0).astype(jnp.bfloat16) + posr
        ids_t = lax.transpose(seg_ref[b], (1, 0)).astype(jnp.int16)
        ids_b = jnp.broadcast_to(ids_t, (BLK, S))
        oh = jnp.where(ids_b == iota_s, one, zero)
        acc_ref[b] = acc_ref[b] + lax.dot_general(
            v, oh, (((1,), (0,)), ((), ())),
            preferred_element_type=jnp.float32)


def _proj_body(acc_ref, cnt_ref, rank_ref, pw_ref, pb_ref, out_ref):
    cnt = cnt_ref[0, 0, :]
    inv = 1.0 / jnp.maximum(cnt.astype(jnp.float32), 1.0)
    mean = acc_ref[0] * inv[None, :]

    ranks = rank_ref[0, 0, :]
    present = cnt > 0
    iota_new = lax.broadcasted_iota(jnp.int32, (S, S), 0)
    p = jnp.where((ranks[None, :] == iota_new) & present[None, :], 1.0, 0.0)
    mean_new = lax.dot_general(p, mean, (((1,), (1,)), ((), ())),
                               preferred_element_type=jnp.float32)
    out = lax.dot_general(mean_new, pw_ref[...], (((1,), (1,)), ((), ())),
                          preferred_element_type=jnp.float32)
    out_ref[0] = out + pb_ref[...]


def kernel(x, segment, conv_w, conv_b, pos_embed, proj_w, proj_b):
    seg32 = segment.astype(jnp.int32)

    new_seg, counts, ranks, _ = _sc_reindex(seg32.reshape(B * HW))
    counts = counts.reshape(B, S)
    ranks = ranks.reshape(B, S)

    wh = jax.image.resize(jnp.eye(SRC, dtype=jnp.float32), (H, SRC), 'bilinear')
    ww = jax.image.resize(jnp.eye(SRC, dtype=jnp.float32), (SRC, W), 'bilinear')

    pos_hw = pl.pallas_call(
        _pos_body,
        grid=(NBP,),
        in_specs=[
            pl.BlockSpec((CMID, SRC, SRC), lambda nb: (0, 0, 0)),
            pl.BlockSpec((RP, SRC), lambda nb: (nb, 0)),
            pl.BlockSpec((SRC, W), lambda nb: (0, 0)),
        ],
        out_specs=pl.BlockSpec((CMID, RP, W), lambda nb: (0, nb, 0)),
        out_shape=jax.ShapeDtypeStruct((CMID, H, W), jnp.bfloat16),
        scratch_shapes=[pltpu.VMEM((CMID, SRC, W), jnp.float32)],
    )(pos_embed.reshape(CMID, SRC, SRC), wh, ww)

    acc = pl.pallas_call(
        _main_body,
        grid=(NB,),
        in_specs=[
            pl.BlockSpec((B, CIN, BLK), lambda nb: (0, 0, nb)),
            pl.BlockSpec((B, 1, BLK), lambda nb: (0, 0, nb)),
            pl.BlockSpec((CMID, BLK), lambda nb: (0, nb)),
            pl.BlockSpec((CIN, CMID), lambda nb: (0, 0)),
            pl.BlockSpec((CMID, 1), lambda nb: (0, 0)),
        ],
        out_specs=pl.BlockSpec((B, CMID, S), lambda nb: (0, 0, 0)),
        out_shape=jax.ShapeDtypeStruct((B, CMID, S), jnp.float32),
    )(x.reshape(B, CIN, HW), seg32.reshape(B, 1, HW),
      pos_hw.reshape(CMID, HW),
      conv_w.reshape(CMID, CIN).T, conv_b.reshape(CMID, 1))

    out = pl.pallas_call(
        _proj_body,
        grid=(B,),
        in_specs=[
            pl.BlockSpec((1, CMID, S), lambda b: (b, 0, 0)),
            pl.BlockSpec((1, 1, S), lambda b: (b, 0, 0)),
            pl.BlockSpec((1, 1, S), lambda b: (b, 0, 0)),
            pl.BlockSpec((COUT, CMID), lambda b: (0, 0)),
            pl.BlockSpec((1, COUT), lambda b: (0, 0)),
        ],
        out_specs=pl.BlockSpec((1, S, COUT), lambda b: (b, 0, 0)),
        out_shape=jax.ShapeDtypeStruct((B, S, COUT), jnp.float32),
    )(acc, counts.reshape(B, 1, S), ranks.reshape(B, 1, S),
      proj_w, proj_b.reshape(1, COUT))

    return (out, new_seg.reshape(B, H, W))

# --- scband reference (transcript-rebuilt; emitter-appended) ---
"""Pipeline reference for scband-segment-embed-74509092651250 (READ-ONLY COPY).

The authoritative reference and input builder live on the scoring server;
editing this copy changes nothing except your own understanding.
"""

import jax, jax.numpy as jnp
import numpy as np

NUM_SEGMENTS = 1024


def reindex_batch_segments(segment):
    # Relabel each batch element's segment ids to contiguous [0, n_b)
    outs = []
    for b in range(segment.shape[0]):
        seg = segment[b]
        present = jnp.zeros((NUM_SEGMENTS,), dtype=jnp.int32).at[seg.reshape(-1)].set(1)
        ranks = jnp.cumsum(present) - present
        new = ranks[seg.reshape(-1)].reshape(seg.shape)
        outs.append(new)
    return jnp.stack(outs, axis=0)


def scatter_segments(features, segment, num_segments=NUM_SEGMENTS):
    # features: [Bf, C, Hf, Wf] (Bf in {1, B}); segment: int [B, H, W]
    # Returns per-segment mean features: [B, C, num_segments]
    B, H, W = segment.shape
    if features.shape[0] == 1 and B > 1:
        features = jnp.broadcast_to(features, (B,) + tuple(features.shape[1:]))
    C = features.shape[1]
    if features.shape[2] != H or features.shape[3] != W:
        features = jax.image.resize(features, (B, C, H, W), method='bilinear')
    data = jnp.transpose(features, (0, 2, 3, 1)).reshape(B * H * W, C)
    seg_flat = segment.reshape(B, H * W).astype(jnp.int32)
    idx = (seg_flat + jnp.arange(B, dtype=jnp.int32)[:, None] * num_segments).reshape(-1)
    sums = jax.ops.segment_sum(data, idx, num_segments=B * num_segments)
    counts = jax.ops.segment_sum(jnp.ones((B * H * W, 1), dtype=data.dtype), idx, num_segments=B * num_segments)
    mean = sums / jnp.maximum(counts, 1.0)
    return jnp.transpose(mean.reshape(B, num_segments, C), (0, 2, 1))


def setup_inputs(seed: int = 0):
    key = jax.random.key(seed)
    ks = jax.random.split(key, 8)
    B, C_in, H, W = 8, 3, 224, 224
    inter_dim, embed_dim, ksz = 128, 768, 1
    x = jax.random.normal(ks[0], (B, C_in, H, W), dtype=jnp.float32)
    segment = jax.random.randint(ks[1], (B, H, W), 0, NUM_SEGMENTS).astype(jnp.int64)
    conv_w = jax.random.normal(ks[2], (inter_dim, C_in, ksz, ksz), dtype=jnp.float32) * 0.02
    conv_b = jnp.zeros((inter_dim,), dtype=jnp.float32)
    pos_embed = jax.random.normal(ks[3], (1, inter_dim, 64, 64), dtype=jnp.float32) * 0.02
    proj_w = jax.random.normal(ks[4], (embed_dim, inter_dim), dtype=jnp.float32) * 0.02
    proj_b = jnp.zeros((embed_dim,), dtype=jnp.float32)
    return {'x': x, 'segment': segment, 'conv_w': conv_w, 'conv_b': conv_b,
            'pos_embed': pos_embed, 'proj_w': proj_w, 'proj_b': proj_b}


def reference(x, segment, conv_w, conv_b, pos_embed, proj_w, proj_b):
    # conv stem (n_conv_stem=1): Conv2d(kernel=1, stride=1, padding='same') + ReLU
    feat = jax.lax.conv_general_dilated(x, conv_w, (1, 1), 'SAME',
                                        dimension_numbers=('NCHW', 'OIHW', 'NCHW'))
    feat = jax.nn.relu(feat + conv_b[None, :, None, None])
    seg = reindex_batch_segments(segment)
    f = scatter_segments(feat, seg)                 # [B, C, S]
    p = scatter_segments(pos_embed, seg)            # [B, C, S] (bilinear 64x64 -> HxW)
    f = f + p
    # proj: Conv1d(inter_dim -> embed_dim, kernel=1) == matmul over channel dim
    out = jnp.einsum('oc,bcs->bos', proj_w, f) + proj_b[None, :, None]
    return (jnp.transpose(out, (0, 2, 1)), seg)

if __name__ == "__main__":
    import jax
    _d = setup_inputs()
    print(jax.jit(kernel)(*tuple(_d.values())))

</pallas_src>

<mosaic_0001>
#map = affine_map<(d0, d1) -> (0)>
module attributes {stable_mosaic.version = 14 : i64} {
  func.func @_sc_body(%arg0: i32, %arg1: i32, %arg2: memref<401408xi32, #tpu.memory_space<hbm>>, %arg3: memref<401408xi32, #tpu.memory_space<hbm>>, %arg4: memref<8192xi32, #tpu.memory_space<hbm>>, %arg5: memref<8192xi32, #tpu.memory_space<hbm>>, %arg6: memref<32768xi32, #tpu.memory_space<hbm>>, %arg7: memref<12544xi32, #tpu.memory_space<vmem>>, %arg8: memref<16384xi32, #tpu.memory_space<vmem>>, %arg9: memref<4096xi32, #tpu.memory_space<vmem>>, %arg10: memref<1024xi32, #tpu.memory_space<vmem>>, %arg11: memref<1024xi32, #tpu.memory_space<vmem>>, %arg12: memref<12544xi32, #tpu.memory_space<vmem>>) attributes {dimension_semantics = [#tpu.dimension_semantics<core_parallel>, #tpu.dimension_semantics<subcore_parallel>], iteration_bounds = array<i64: 2, 16>, scalar_prefetch = 0 : i64, scratch_operands = 6 : i64, tpu.core_type = #tpu.core_type<sc_vector_subcore>, window_params = [{transform_indices = #map}, {transform_indices = #map}, {transform_indices = #map}, {transform_indices = #map}, {transform_indices = #map}]} {
    %mul3A = arith.constant 4 : i32
    %mul3A_0 = arith.muli %arg0, %mul3A : i32
    %jit3A = arith.constant 4 : i32
    %div3A = arith.divsi %arg1, %jit3A : i32
    %sign3A = arith.constant 0 : i32
    %sign3A_1 = arith.cmpi sgt, %arg1, %sign3A : i32
    %sign3A_2 = arith.extui %sign3A_1 : i1 to i32
    %sign3A_3 = arith.constant 0 : i32
    %sign3A_4 = arith.cmpi slt, %arg1, %sign3A_3 : i32
    %sign3A_5 = arith.extui %sign3A_4 : i1 to i32
    %sign3A_6 = arith.subi %sign3A_2, %sign3A_5 : i32
    %sign3A_7 = arith.constant 0 : i32
    %sign3A_8 = arith.cmpi sgt, %jit3A, %sign3A_7 : i32
    %sign3A_9 = arith.extui %sign3A_8 : i1 to i32
    %sign3A_10 = arith.constant 0 : i32
    %sign3A_11 = arith.cmpi slt, %jit3A, %sign3A_10 : i32
    %sign3A_12 = arith.extui %sign3A_11 : i1 to i32
    %sign3A_13 = arith.subi %sign3A_9, %sign3A_12 : i32
    %ne3A = arith.cmpi ne, %sign3A_6, %sign3A_13 : i32
    %rem3A = arith.remsi %arg1, %jit3A : i32
    %ne3A_14 = arith.constant 0 : i32
    %ne3A_15 = arith.cmpi ne, %rem3A, %ne3A_14 : i32
    %and3A = arith.andi %ne3A, %ne3A_15 : i1
    %sub3A = arith.constant 1 : i32
    %sub3A_16 = arith.subi %div3A, %sub3A : i32
    %select_n3A = arith.select %and3A, %sub3A_16, %div3A : i32
    %add3A = arith.addi %mul3A_0, %select_n3A : i32
    %jit3A_17 = arith.constant 4 : i32
    %eq3A = arith.constant 0 : i32
    %eq3A_18 = arith.cmpi eq, %jit3A_17, %eq3A : i32
    %jit3A_19 = arith.constant 1 : i32
    %select_n3A_20 = arith.select %eq3A_18, %jit3A_19, %jit3A_17 : i32
    %rem3A_21 = arith.remsi %arg1, %select_n3A_20 : i32
    %ne3A_22 = arith.constant 0 : i32
    %ne3A_23 = arith.cmpi ne, %rem3A_21, %ne3A_22 : i32
    %lt3A = arith.constant 0 : i32
    %lt3A_24 = arith.cmpi slt, %rem3A_21, %lt3A : i32
    %lt3A_25 = arith.constant 0 : i32
    %lt3A_26 = arith.cmpi slt, %select_n3A_20, %lt3A_25 : i32
    %ne3A_27 = arith.xori %lt3A_24, %lt3A_26 : i1
    %and3A_28 = arith.andi %ne3A_27, %ne3A_23 : i1
    %add3A_29 = arith.addi %rem3A_21, %select_n3A_20 : i32
    %select_n3A_30 = arith.select %and3A_28, %add3A_29, %rem3A_21 : i32
    %mul3A_31 = arith.constant 16 : i32
    %mul3A_32 = arith.muli %arg0, %mul3A_31 : i32
    %add3A_33 = arith.addi %mul3A_32, %arg1 : i32
    %sub3A_34 = arith.subi %add3A_33, %select_n3A_30 : i32
    %mul3A_35 = arith.constant 50176 : i32
    %mul3A_36 = arith.muli %add3A, %mul3A_35 : i32
    %mul3A_37 = arith.constant 12544 : i32
    %mul3A_38 = arith.muli %select_n3A_30, %mul3A_37 : i32
    %add3A_39 = arith.addi %mul3A_36, %mul3A_38 : i32
    "tpu.region"() ({
      %run_scoped3A = tpu.sem_alloc : memref<!tpu.dma_semaphore, #tpu.memory_space<semaphore_mem>>
      %dma_start3A = tpu.memref_slice %arg2[%add3A_39] : memref<401408xi32, #tpu.memory_space<hbm>> -> memref<12544xi32, #tpu.memory_space<hbm>>
      %dma_start3A_84 = tpu.memref_slice %arg2[%add3A_39] : memref<401408xi32, #tpu.memory_space<hbm>> -> memref<12544xi32, #tpu.memory_space<hbm>>
      tpu.enqueue_dma source(%dma_start3A_84 : memref<12544xi32, #tpu.memory_space<hbm>>) target(%arg7 : memref<12544xi32, #tpu.memory_space<vmem>>) target_semaphore(%run_scoped3A : memref<!tpu.dma_semaphore, #tpu.memory_space<semaphore_mem>>)
      %dma_wait3A = tpu.memref_slice %arg2[%add3A_39] : memref<401408xi32, #tpu.memory_space<hbm>> -> memref<12544xi32, #tpu.memory_space<hbm>>
      %dma_wait3A_85 = tpu.memref_slice %arg2[%add3A_39] : memref<401408xi32, #tpu.memory_space<hbm>> -> memref<12544xi32, #tpu.memory_space<hbm>>
      tpu.wait_dma2 semaphore(%run_scoped3A : memref<!tpu.dma_semaphore, #tpu.memory_space<semaphore_mem>>) src(%dma_wait3A_85 : memref<12544xi32, #tpu.memory_space<hbm>>) dst(%arg7 : memref<12544xi32, #tpu.memory_space<vmem>>)
      tpu.yield
    }) : () -> ()
    %scan3A = arith.constant 0 : i32
    %scan3A_40 = arith.constant 0 : i32
    %scan3A_41 = arith.constant 128 : i32
    %scan3A_42 = arith.addi %scan3A_40, %scan3A_41 : i32
    %scan3A_43 = arith.constant 1 : i32
    %scan3A_44 = scf.for %scan3A_84 = %scan3A_40 to %scan3A_42 step %scan3A_43 iter_args(%scan3A_85 = %scan3A) -> (i32)  : i32 {
      %broadcast_in_dim3A_86 = arith.constant 0 : i32
      %broadcast_in_dim3A_87 = vector.broadcast %broadcast_in_dim3A_86 : i32 to vector<16xi32>
      %mul3A_88 = arith.constant 8 : i32
      %mul3A_89 = arith.muli %scan3A_84, %mul3A_88 : i32
      %add3A_90 = arith.constant 0 : i32
      %add3A_91 = arith.addi %mul3A_89, %add3A_90 : i32
      %mul3A_92 = arith.constant 16 : i32
      %mul3A_93 = arith.muli %add3A_91, %mul3A_92 : i32
      %swap3A = arith.index_cast %mul3A_93 : i32 to index
      %swap3A_94 = tpu.vector_load %arg8[%swap3A] {strides = array<i32>} : memref<16384xi32, #tpu.memory_space<vmem>>, vector<16xi32>,
      tpu.vector_store %arg8[%swap3A], %broadcast_in_dim3A_87 {strides = array<i32>} : memref<16384xi32, #tpu.memory_space<vmem>>, vector<16xi32>,
      %broadcast_in_dim3A_95 = arith.constant 0 : i32
      %broadcast_in_dim3A_96 = vector.broadcast %broadcast_in_dim3A_95 : i32 to vector<16xi32>
      %mul3A_97 = arith.constant 8 : i32
      %mul3A_98 = arith.muli %scan3A_84, %mul3A_97 : i32
      %add3A_99 = arith.constant 1 : i32
      %add3A_100 = arith.addi %mul3A_98, %add3A_99 : i32
      %mul3A_101 = arith.constant 16 : i32
      %mul3A_102 = arith.muli %add3A_100, %mul3A_101 : i32
      %swap3A_103 = arith.index_cast %mul3A_102 : i32 to index
      %swap3A_104 = tpu.vector_load %arg8[%swap3A_103] {strides = array<i32>} : memref<16384xi32, #tpu.memory_space<vmem>>, vector<16xi32>,
      tpu.vector_store %arg8[%swap3A_103], %broadcast_in_dim3A_96 {strides = array<i32>} : memref<16384xi32, #tpu.memory_space<vmem>>, vector<16xi32>,
      %broadcast_in_dim3A_105 = arith.constant 0 : i32
      %broadcast_in_dim3A_106 = vector.broadcast %broadcast_in_dim3A_105 : i32 to vector<16xi32>
      %mul3A_107 = arith.constant 8 : i32
      %mul3A_108 = arith.muli %scan3A_84, %mul3A_107 : i32
      %add3A_109 = arith.constant 2 : i32
      %add3A_110 = arith.addi %mul3A_108, %add3A_109 : i32
      %mul3A_111 = arith.constant 16 : i32
      %mul3A_112 = arith.muli %add3A_110, %mul3A_111 : i32
      %swap3A_113 = arith.index_cast %mul3A_112 : i32 to index
      %swap3A_114 = tpu.vector_load %arg8[%swap3A_113] {strides = array<i32>} : memref<16384xi32, #tpu.memory_space<vmem>>, vector<16xi32>,
      tpu.vector_store %arg8[%swap3A_113], %broadcast_in_dim3A_106 {strides = array<i32>} : memref<16384xi32, #tpu.memory_space<vmem>>, vector<16xi32>,
      %broadcast_in_dim3A_115 = arith.constant 0 : i32
      %broadcast_in_dim3A_116 = vector.broadcast %broadcast_in_dim3A_115 : i32 to vector<16xi32>
      %mul3A_117 = arith.constant 8 : i32
      %mul3A_118 = arith.muli %scan3A_84, %mul3A_117 : i32
      %add3A_119 = arith.constant 3 : i32
      %add3A_120 = arith.addi %mul3A_118, %add3A_119 : i32
      %mul3A_121 = arith.constant 16 : i32
      %mul3A_122 = arith.muli %add3A_120, %mul3A_121 : i32
      %swap3A_123 = arith.index_cast %mul3A_122 : i32 to index
      %swap3A_124 = tpu.vector_load %arg8[%swap3A_123] {strides = array<i32>} : memref<16384xi32, #tpu.memory_space<vmem>>, vector<16xi32>,
      tpu.vector_store %arg8[%swap3A_123], %broadcast_in_dim3A_116 {strides = array<i32>} : memref<16384xi32, #tpu.memory_space<vmem>>, vector<16xi32>,
      %broadcast_in_dim3A_125 = arith.constant 0 : i32
      %broadcast_in_dim3A_126 = vector.broadcast %broadcast_in_dim3A_125 : i32 to vector<16xi32>
      %mul3A_127 = arith.constant 8 : i32
      %mul3A_128 = arith.muli %scan3A_84, %mul3A_127 : i32
      %add3A_129 = arith.constant 4 : i32
      %add3A_130 = arith.addi %mul3A_128, %add3A_129 : i32
      %mul3A_131 = arith.constant 16 : i32
      %mul3A_132 = arith.muli %add3A_130, %mul3A_131 : i32
      %swap3A_133 = arith.index_cast %mul3A_132 : i32 to index
      %swap3A_134 = tpu.vector_load %arg8[%swap3A_133] {strides = array<i32>} : memref<16384xi32, #tpu.memory_space<vmem>>, vector<16xi32>,
      tpu.vector_store %arg8[%swap3A_133], %broadcast_in_dim3A_126 {strides = array<i32>} : memref<16384xi32, #tpu.memory_space<vmem>>, vector<16xi32>,
      %broadcast_in_dim3A_135 = arith.constant 0 : i32
      %broadcast_in_dim3A_136 = vector.broadcast %broadcast_in_dim3A_135 : i32 to vector<16xi32>
      %mul3A_137 = arith.constant 8 : i32
      %mul3A_138 = arith.muli %scan3A_84, %mul3A_137 : i32
      %add3A_139 = arith.constant 5 : i32
      %add3A_140 = arith.addi %mul3A_138, %add3A_139 : i32
      %mul3A_141 = arith.constant 16 : i32
      %mul3A_142 = arith.muli %add3A_140, %mul3A_141 : i32
      %swap3A_143 = arith.index_cast %mul3A_142 : i32 to index
      %swap3A_144 = tpu.vector_load %arg8[%swap3A_143] {strides = array<i32>} : memref<16384xi32, #tpu.memory_space<vmem>>, vector<16xi32>,
      tpu.vector_store %arg8[%swap3A_143], %broadcast_in_dim3A_136 {strides = array<i32>} : memref<16384xi32, #tpu.memory_space<vmem>>, vector<16xi32>,
      %broadcast_in_dim3A_145 = arith.constant 0 : i32
      %broadcast_in_dim3A_146 = vector.broadcast %broadcast_in_dim3A_145 : i32 to vector<16xi32>
      %mul3A_147 = arith.constant 8 : i32
      %mul3A_148 = arith.muli %scan3A_84, %mul3A_147 : i32
      %add3A_149 = arith.constant 6 : i32
      %add3A_150 = arith.addi %mul3A_148, %add3A_149 : i32
      %mul3A_151 = arith.constant 16 : i32
      %mul3A_152 = arith.muli %add3A_150, %mul3A_151 : i32
      %swap3A_153 = arith.index_cast %mul3A_152 : i32 to index
      %swap3A_154 = tpu.vector_load %arg8[%swap3A_153] {strides = array<i32>} : memref<16384xi32, #tpu.memory_space<vmem>>, vector<16xi32>,
      tpu.vector_store %arg8[%swap3A_153], %broadcast_in_dim3A_146 {strides = array<i32>} : memref<16384xi32, #tpu.memory_space<vmem>>, vector<16xi32>,
      %broadcast_in_dim3A_155 = arith.constant 0 : i32
      %broadcast_in_dim3A_156 = vector.broadcast %broadcast_in_dim3A_155 : i32 to vector<16xi32>
      %mul3A_157 = arith.constant 8 : i32
      %mul3A_158 = arith.muli %scan3A_84, %mul3A_157 : i32
      %add3A_159 = arith.constant 7 : i32
      %add3A_160 = arith.addi %mul3A_158, %add3A_159 : i32
      %mul3A_161 = arith.constant 16 : i32
      %mul3A_162 = arith.muli %add3A_160, %mul3A_161 : i32
      %swap3A_163 = arith.index_cast %mul3A_162 : i32 to index
      %swap3A_164 = tpu.vector_load %arg8[%swap3A_163] {strides = array<i32>} : memref<16384xi32, #tpu.memory_space<vmem>>, vector<16xi32>,
      tpu.vector_store %arg8[%swap3A_163], %broadcast_in_dim3A_156 {strides = array<i32>} : memref<16384xi32, #tpu.memory_space<vmem>>, vector<16xi32>,
      %scan3A_165 = arith.constant 0 : i32
      scf.yield %scan3A_165 : i32
    }
    %scan3A_45 = arith.constant 128 : i32
    %iota3A = tpu.iota {dimensions = array<i32: 0>} : vector<16xi32>
    %mul3A_46 = arith.constant 1024 : i32
    %mul3A_47 = vector.broadcast %mul3A_46 : i32 to vector<16xi32>
    %mul3A_48 = arith.muli %iota3A, %mul3A_47 : vector<16xi32>
    %broadcast_in_dim3A = arith.constant 1 : i32
    %broadcast_in_dim3A_49 = vector.broadcast %broadcast_in_dim3A : i32 to vector<16xi32>
    %scan3A_50 = arith.constant 0 : i32
    %scan3A_51 = arith.constant 0 : i32
    %scan3A_52 = arith.constant 98 : i32
    %scan3A_53 = arith.addi %scan3A_51, %scan3A_52 : i32
    %scan3A_54 = arith.constant 1 : i32
    %scan3A_55 = scf.for %scan3A_84 = %scan3A_51 to %scan3A_53 step %scan3A_54 iter_args(%scan3A_85 = %scan3A_50) -> (i32)  : i32 {
      %mul3A_86 = arith.constant 8 : i32
      %mul3A_87 = arith.muli %scan3A_84, %mul3A_86 : i32
      %add3A_88 = arith.constant 0 : i32
      %add3A_89 = arith.addi %mul3A_87, %add3A_88 : i32
      %mul3A_90 = arith.constant 16 : i32
      %mul3A_91 = arith.muli %add3A_89, %mul3A_90 : i32
      %get3A = arith.index_cast %mul3A_91 : i32 to index
      %get3A_92 = tpu.vector_load %arg7[%get3A] {strides = array<i32>} : memref<12544xi32, #tpu.memory_space<vmem>>, vector<16xi32>,
      %add3A_93 = arith.addi %get3A_92, %mul3A_48 : vector<16xi32>
      tpu.vector_store_idx %arg8[%add3A_93], %broadcast_in_dim3A_49 {add = true} : memref<16384xi32, #tpu.memory_space<vmem>>[vector<16xi32>], vector<16xi32>,
      %mul3A_94 = arith.constant 8 : i32
      %mul3A_95 = arith.muli %scan3A_84, %mul3A_94 : i32
      %add3A_96 = arith.constant 1 : i32
      %add3A_97 = arith.addi %mul3A_95, %add3A_96 : i32
      %mul3A_98 = arith.constant 16 : i32
      %mul3A_99 = arith.muli %add3A_97, %mul3A_98 : i32
      %get3A_100 = arith.index_cast %mul3A_99 : i32 to index
      %get3A_101 = tpu.vector_load %arg7[%get3A_100] {strides = array<i32>} : memref<12544xi32, #tpu.memory_space<vmem>>, vector<16xi32>,
      %add3A_102 = arith.addi %get3A_101, %mul3A_48 : vector<16xi32>
      tpu.vector_store_idx %arg8[%add3A_102], %broadcast_in_dim3A_49 {add = true} : memref<16384xi32, #tpu.memory_space<vmem>>[vector<16xi32>], vector<16xi32>,
      %mul3A_103 = arith.constant 8 : i32
      %mul3A_104 = arith.muli %scan3A_84, %mul3A_103 : i32
      %add3A_105 = arith.constant 2 : i32
      %add3A_106 = arith.addi %mul3A_104, %add3A_105 : i32
      %mul3A_107 = arith.constant 16 : i32
      %mul3A_108 = arith.muli %add3A_106, %mul3A_107 : i32
      %get3A_109 = arith.index_cast %mul3A_108 : i32 to index
      %get3A_110 = tpu.vector_load %arg7[%get3A_109] {strides = array<i32>} : memref<12544xi32, #tpu.memory_space<vmem>>, vector<16xi32>,
      %add3A_111 = arith.addi %get3A_110, %mul3A_48 : vector<16xi32>
      tpu.vector_store_idx %arg8[%add3A_111], %broadcast_in_dim3A_49 {add = true} : memref<16384xi32, #tpu.memory_space<vmem>>[vector<16xi32>], vector<16xi32>,
      %mul3A_112 = arith.constant 8 : i32
      %mul3A_113 = arith.muli %scan3A_84, %mul3A_112 : i32
      %add3A_114 = arith.constant 3 : i32
      %add3A_115 = arith.addi %mul3A_113, %add3A_114 : i32
      %mul3A_116 = arith.constant 16 : i32
      %mul3A_117 = arith.muli %add3A_115, %mul3A_116 : i32
      %get3A_118 = arith.index_cast %mul3A_117 : i32 to index
      %get3A_119 = tpu.vector_load %arg7[%get3A_118] {strides = array<i32>} : memref<12544xi32, #tpu.memory_space<vmem>>, vector<16xi32>,
      %add3A_120 = arith.addi %get3A_119, %mul3A_48 : vector<16xi32>
      tpu.vector_store_idx %arg8[%add3A_120], %broadcast_in_dim3A_49 {add = true} : memref<16384xi32, #tpu.memory_space<vmem>>[vector<16xi32>], vector<16xi32>,
      %mul3A_121 = arith.constant 8 : i32
      %mul3A_122 = arith.muli %scan3A_84, %mul3A_121 : i32
      %add3A_123 = arith.constant 4 : i32
      %add3A_124 = arith.addi %mul3A_122, %add3A_123 : i32
      %mul3A_125 = arith.constant 16 : i32
      %mul3A_126 = arith.muli %add3A_124, %mul3A_125 : i32
      %get3A_127 = arith.index_cast %mul3A_126 : i32 to index
      %get3A_128 = tpu.vector_load %arg7[%get3A_127] {strides = array<i32>} : memref<12544xi32, #tpu.memory_space<vmem>>, vector<16xi32>,
      %add3A_129 = arith.addi %get3A_128, %mul3A_48 : vector<16xi32>
      tpu.vector_store_idx %arg8[%add3A_129], %broadcast_in_dim3A_49 {add = true} : memref<16384xi32, #tpu.memory_space<vmem>>[vector<16xi32>], vector<16xi32>,
      %mul3A_130 = arith.constant 8 : i32
      %mul3A_131 = arith.muli %scan3A_84, %mul3A_130 : i32
      %add3A_132 = arith.constant 5 : i32
      %add3A_133 = arith.addi %mul3A_131, %add3A_132 : i32
      %mul3A_134 = arith.constant 16 : i32
      %mul3A_135 = arith.muli %add3A_133, %mul3A_134 : i32
      %get3A_136 = arith.index_cast %mul3A_135 : i32 to index
      %get3A_137 = tpu.vector_load %arg7[%get3A_136] {strides = array<i32>} : memref<12544xi32, #tpu.memory_space<vmem>>, vector<16xi32>,
      %add3A_138 = arith.addi %get3A_137, %mul3A_48 : vector<16xi32>
      tpu.vector_store_idx %arg8[%add3A_138], %broadcast_in_dim3A_49 {add = true} : memref<16384xi32, #tpu.memory_space<vmem>>[vector<16xi32>], vector<16xi32>,
      %mul3A_139 = arith.constant 8 : i32
      %mul3A_140 = arith.muli %scan3A_84, %mul3A_139 : i32
      %add3A_141 = arith.constant 6 : i32
      %add3A_142 = arith.addi %mul3A_140, %add3A_141 : i32
      %mul3A_143 = arith.constant 16 : i32
      %mul3A_144 = arith.muli %add3A_142, %mul3A_143 : i32
      %get3A_145 = arith.index_cast %mul3A_144 : i32 to index
      %get3A_146 = tpu.vector_load %arg7[%get3A_145] {strides = array<i32>} : memref<12544xi32, #tpu.memory_space<vmem>>, vector<16xi32>,
      %add3A_147 = arith.addi %get3A_146, %mul3A_48 : vector<16xi32>
      tpu.vector_store_idx %arg8[%add3A_147], %broadcast_in_dim3A_49 {add = true} : memref<16384xi32, #tpu.memory_space<vmem>>[vector<16xi32>], vector<16xi32>,
      %mul3A_148 = arith.constant 8 : i32
      %mul3A_149 = arith.muli %scan3A_84, %mul3A_148 : i32
      %add3A_150 = arith.constant 7 : i32
      %add3A_151 = arith.addi %mul3A_149, %add3A_150 : i32
      %mul3A_152 = arith.constant 16 : i32
      %mul3A_153 = arith.muli %add3A_151, %mul3A_152 : i32
      %get3A_154 = arith.index_cast %mul3A_153 : i32 to index
      %get3A_155 = tpu.vector_load %arg7[%get3A_154] {strides = array<i32>} : memref<12544xi32, #tpu.memory_space<vmem>>, vector<16xi32>,
      %add3A_156 = arith.addi %get3A_155, %mul3A_48 : vector<16xi32>
      tpu.vector_store_idx %arg8[%add3A_156], %broadcast_in_dim3A_49 {add = true} : memref<16384xi32, #tpu.memory_space<vmem>>[vector<16xi32>], vector<16xi32>,
      %scan3A_157 = arith.constant 0 : i32
      scf.yield %scan3A_157 : i32
    }
    %scan3A_56 = arith.constant 98 : i32
    %scan3A_57 = arith.constant 0 : i32
    %scan3A_58 = arith.constant 0 : i32
    %scan3A_59 = arith.constant 64 : i32
    %scan3A_60 = arith.addi %scan3A_58, %scan3A_59 : i32
    %scan3A_61 = arith.constant 1 : i32
    %scan3A_62 = scf.for %scan3A_84 = %scan3A_58 to %scan3A_60 step %scan3A_61 iter_args(%scan3A_85 = %scan3A_57) -> (i32)  : i32 {
      %mul3A_86 = arith.constant 16 : i32
      %mul3A_87 = arith.muli %scan3A_84, %mul3A_86 : i32
      %get3A = arith.index_cast %mul3A_87 : i32 to index
      %get3A_88 = tpu.vector_load %arg8[%get3A] {strides = array<i32>} : memref<16384xi32, #tpu.memory_space<vmem>>, vector<16xi32>,
      %mul3A_89 = arith.constant 16 : i32
      %mul3A_90 = arith.muli %scan3A_84, %mul3A_89 : i32
      %add3A_91 = arith.constant 1024 : i32
      %add3A_92 = arith.addi %add3A_91, %mul3A_90 : i32
      %get3A_93 = arith.index_cast %add3A_92 : i32 to index
      %get3A_94 = tpu.vector_load %arg8[%get3A_93] {strides = array<i32>} : memref<16384xi32, #tpu.memory_space<vmem>>, vector<16xi32>,
      %add3A_95 = arith.addi %get3A_88, %get3A_94 : vector<16xi32>
      %mul3A_96 = arith.constant 16 : i32
      %mul3A_97 = arith.muli %scan3A_84, %mul3A_96 : i32
      %add3A_98 = arith.constant 2048 : i32
      %add3A_99 = arith.addi %add3A_98, %mul3A_97 : i32
      %get3A_100 = arith.index_cast %add3A_99 : i32 to index
      %get3A_101 = tpu.vector_load %arg8[%get3A_100] {strides = array<i32>} : memref<16384xi32, #tpu.memory_space<vmem>>, vector<16xi32>,
      %add3A_102 = arith.addi %add3A_95, %get3A_101 : vector<16xi32>
      %mul3A_103 = arith.constant 16 : i32
      %mul3A_104 = arith.muli %scan3A_84, %mul3A_103 : i32
      %add3A_105 = arith.constant 3072 : i32
      %add3A_106 = arith.addi %add3A_105, %mul3A_104 : i32
      %get3A_107 = arith.index_cast %add3A_106 : i32 to index
      %get3A_108 = tpu.vector_load %arg8[%get3A_107] {strides = array<i32>} : memref<16384xi32, #tpu.memory_space<vmem>>, vector<16xi32>,
      %add3A_109 = arith.addi %add3A_102, %get3A_108 : vector<16xi32>
      %mul3A_110 = arith.constant 16 : i32
      %mul3A_111 = arith.muli %scan3A_84, %mul3A_110 : i32
      %add3A_112 = arith.constant 4096 : i32
      %add3A_113 = arith.addi %add3A_112, %mul3A_111 : i32
      %get3A_114 = arith.index_cast %add3A_113 : i32 to index
      %get3A_115 = tpu.vector_load %arg8[%get3A_114] {strides = array<i32>} : memref<16384xi32, #tpu.memory_space<vmem>>, vector<16xi32>,
      %add3A_116 = arith.addi %add3A_109, %get3A_115 : vector<16xi32>
      %mul3A_117 = arith.constant 16 : i32
      %mul3A_118 = arith.muli %scan3A_84, %mul3A_117 : i32
      %add3A_119 = arith.constant 5120 : i32
      %add3A_120 = arith.addi %add3A_119, %mul3A_118 : i32
      %get3A_121 = arith.index_cast %add3A_120 : i32 to index
      %get3A_122 = tpu.vector_load %arg8[%get3A_121] {strides = array<i32>} : memref<16384xi32, #tpu.memory_space<vmem>>, vector<16xi32>,
      %add3A_123 = arith.addi %add3A_116, %get3A_122 : vector<16xi32>
      %mul3A_124 = arith.constant 16 : i32
      %mul3A_125 = arith.muli %scan3A_84, %mul3A_124 : i32
      %add3A_126 = arith.constant 6144 : i32
      %add3A_127 = arith.addi %add3A_126, %mul3A_125 : i32
      %get3A_128 = arith.index_cast %add3A_127 : i32 to index
      %get3A_129 = tpu.vector_load %arg8[%get3A_128] {strides = array<i32>} : memref<16384xi32, #tpu.memory_space<vmem>>, vector<16xi32>,
      %add3A_130 = arith.addi %add3A_123, %get3A_129 : vector<16xi32>
      %mul3A_131 = arith.constant 16 : i32
      %mul3A_132 = arith.muli %scan3A_84, %mul3A_131 : i32
      %add3A_133 = arith.constant 7168 : i32
      %add3A_134 = arith.addi %add3A_133, %mul3A_132 : i32
      %get3A_135 = arith.index_cast %add3A_134 : i32 to index
      %get3A_136 = tpu.vector_load %arg8[%get3A_135] {strides = array<i32>} : memref<16384xi32, #tpu.memory_space<vmem>>, vector<16xi32>,
      %add3A_137 = arith.addi %add3A_130, %get3A_136 : vector<16xi32>
      %mul3A_138 = arith.constant 16 : i32
      %mul3A_139 = arith.muli %scan3A_84, %mul3A_138 : i32
      %add3A_140 = arith.constant 8192 : i32
      %add3A_141 = arith.addi %add3A_140, %mul3A_139 : i32
      %get3A_142 = arith.index_cast %add3A_141 : i32 to index
      %get3A_143 = tpu.vector_load %arg8[%get3A_142] {strides = array<i32>} : memref<16384xi32, #tpu.memory_space<vmem>>, vector<16xi32>,
      %add3A_144 = arith.addi %add3A_137, %get3A_143 : vector<16xi32>
      %mul3A_145 = arith.constant 16 : i32
      %mul3A_146 = arith.muli %scan3A_84, %mul3A_145 : i32
      %add3A_147 = arith.constant 9216 : i32
      %add3A_148 = arith.addi %add3A_147, %mul3A_146 : i32
      %get3A_149 = arith.index_cast %add3A_148 : i32 to index
      %get3A_150 = tpu.vector_load %arg8[%get3A_149] {strides = array<i32>} : memref<16384xi32, #tpu.memory_space<vmem>>, vector<16xi32>,
      %add3A_151 = arith.addi %add3A_144, %get3A_150 : vector<16xi32>
      %mul3A_152 = arith.constant 16 : i32
      %mul3A_153 = arith.muli %scan3A_84, %mul3A_152 : i32
      %add3A_154 = arith.constant 10240 : i32
      %add3A_155 = arith.addi %add3A_154, %mul3A_153 : i32
      %get3A_156 = arith.index_cast %add3A_155 : i32 to index
      %get3A_157 = tpu.vector_load %arg8[%get3A_156] {strides = array<i32>} : memref<16384xi32, #tpu.memory_space<vmem>>, vector<16xi32>,
      %add3A_158 = arith.addi %add3A_151, %get3A_157 : vector<16xi32>
      %mul3A_159 = arith.constant 16 : i32
      %mul3A_160 = arith.muli %scan3A_84, %mul3A_159 : i32
      %add3A_161 = arith.constant 11264 : i32
      %add3A_162 = arith.addi %add3A_161, %mul3A_160 : i32
      %get3A_163 = arith.index_cast %add3A_162 : i32 to index
      %get3A_164 = tpu.vector_load %arg8[%get3A_163] {strides = array<i32>} : memref<16384xi32, #tpu.memory_space<vmem>>, vector<16xi32>,
      %add3A_165 = arith.addi %add3A_158, %get3A_164 : vector<16xi32>
      %mul3A_166 = arith.constant 16 : i32
      %mul3A_167 = arith.muli %scan3A_84, %mul3A_166 : i32
      %add3A_168 = arith.constant 12288 : i32
      %add3A_169 = arith.addi %add3A_168, %mul3A_167 : i32
      %get3A_170 = arith.index_cast %add3A_169 : i32 to index
      %get3A_171 = tpu.vector_load %arg8[%get3A_170] {strides = array<i32>} : memref<16384xi32, #tpu.memory_space<vmem>>, vector<16xi32>,
      %add3A_172 = arith.addi %add3A_165, %get3A_171 : vector<16xi32>
      %mul3A_173 = arith.constant 16 : i32
      %mul3A_174 = arith.muli %scan3A_84, %mul3A_173 : i32
      %add3A_175 = arith.constant 13312 : i32
      %add3A_176 = arith.addi %add3A_175, %mul3A_174 : i32
      %get3A_177 = arith.index_cast %add3A_176 : i32 to index
      %get3A_178 = tpu.vector_load %arg8[%get3A_177] {strides = array<i32>} : memref<16384xi32, #tpu.memory_space<vmem>>, vector<16xi32>,
      %add3A_179 = arith.addi %add3A_172, %get3A_178 : vector<16xi32>
      %mul3A_180 = arith.constant 16 : i32
      %mul3A_181 = arith.muli %scan3A_84, %mul3A_180 : i32
      %add3A_182 = arith.constant 14336 : i32
      %add3A_183 = arith.addi %add3A_182, %mul3A_181 : i32
      %get3A_184 = arith.index_cast %add3A_183 : i32 to index
      %get3A_185 = tpu.vector_load %arg8[%get3A_184] {strides = array<i32>} : memref<16384xi32, #tpu.memory_space<vmem>>, vector<16xi32>,
      %add3A_186 = arith.addi %add3A_179, %get3A_185 : vector<16xi32>
      %mul3A_187 = arith.constant 16 : i32
      %mul3A_188 = arith.muli %scan3A_84, %mul3A_187 : i32
      %add3A_189 = arith.constant 15360 : i32
      %add3A_190 = arith.addi %add3A_189, %mul3A_188 : i32
      %get3A_191 = arith.index_cast %add3A_190 : i32 to index
      %get3A_192 = tpu.vector_load %arg8[%get3A_191] {strides = array<i32>} : memref<16384xi32, #tpu.memory_space<vmem>>, vector<16xi32>,
      %add3A_193 = arith.addi %add3A_186, %get3A_192 : vector<16xi32>
      %mul3A_194 = arith.constant 16 : i32
      %mul3A_195 = arith.muli %scan3A_84, %mul3A_194 : i32
      %swap3A = arith.index_cast %mul3A_195 : i32 to index
      %swap3A_196 = tpu.vector_load %arg10[%swap3A] {strides = array<i32>} : memref<1024xi32, #tpu.memory_space<vmem>>, vector<16xi32>,
      tpu.vector_store %arg10[%swap3A], %add3A_193 {strides = array<i32>} : memref<1024xi32, #tpu.memory_space<vmem>>, vector<16xi32>,
      %scan3A_197 = arith.constant 0 : i32
      scf.yield %scan3A_197 : i32
    }
    %scan3A_63 = arith.constant 64 : i32
    %mul3A_64 = arith.constant 1024 : i32
    %mul3A_65 = arith.muli %add3A_33, %mul3A_64 : i32
    "tpu.region"() ({
      %run_scoped3A = tpu.sem_alloc : memref<!tpu.dma_semaphore, #tpu.memory_space<semaphore_mem>>
      %dma_start3A = tpu.memref_slice %arg6[%mul3A_65] : memref<32768xi32, #tpu.memory_space<hbm>> -> memref<1024xi32, #tpu.memory_space<hbm>>
      %dma_start3A_84 = tpu.memref_slice %arg6[%mul3A_65] : memref<32768xi32, #tpu.memory_space<hbm>> -> memref<1024xi32, #tpu.memory_space<hbm>>
      tpu.enqueue_dma source(%arg10 : memref<1024xi32, #tpu.memory_space<vmem>>) target(%dma_start3A_84 : memref<1024xi32, #tpu.memory_space<hbm>>) target_semaphore(%run_scoped3A : memref<!tpu.dma_semaphore, #tpu.memory_space<semaphore_mem>>)
      %dma_wait3A = tpu.memref_slice %arg6[%mul3A_65] : memref<32768xi32, #tpu.memory_space<hbm>> -> memref<1024xi32, #tpu.memory_space<hbm>>
      %dma_wait3A_85 = tpu.memref_slice %arg6[%mul3A_65] : memref<32768xi32, #tpu.memory_space<hbm>> -> memref<1024xi32, #tpu.memory_space<hbm>>
      tpu.wait_dma2 semaphore(%run_scoped3A : memref<!tpu.dma_semaphore, #tpu.memory_space<semaphore_mem>>) src(%arg10 : memref<1024xi32, #tpu.memory_space<vmem>>) dst(%dma_wait3A_85 : memref<1024xi32, #tpu.memory_space<hbm>>)
      tpu.yield
    }) : () -> ()
    %barrier3A = arith.constant 0 : index
    tpu.barrier barrier_id(%barrier3A)
    %eq3A_66 = arith.constant 0 : i32
    %eq3A_67 = arith.cmpi eq, %select_n3A_30, %eq3A_66 : i32
    %convert_element_type3A = arith.extui %eq3A_67 : i1 to i32
    %cond3A = arith.constant 0 : i32
    %cond3A_68 = arith.cmpi ne, %convert_element_type3A, %cond3A : i32
    scf.if %cond3A_68 {
      %mul3A_84 = arith.constant 1024 : i32
      %mul3A_85 = arith.muli %sub3A_34, %mul3A_84 : i32
      "tpu.region"() ({
        %run_scoped3A = tpu.sem_alloc : memref<!tpu.dma_semaphore, #tpu.memory_space<semaphore_mem>>
        %dma_start3A = tpu.memref_slice %arg6[%mul3A_85] : memref<32768xi32, #tpu.memory_space<hbm>> -> memref<4096xi32, #tpu.memory_space<hbm>>
        %dma_start3A_97 = tpu.memref_slice %arg6[%mul3A_85] : memref<32768xi32, #tpu.memory_space<hbm>> -> memref<4096xi32, #tpu.memory_space<hbm>>
        tpu.enqueue_dma source(%dma_start3A_97 : memref<4096xi32, #tpu.memory_space<hbm>>) target(%arg9 : memref<4096xi32, #tpu.memory_space<vmem>>) target_semaphore(%run_scoped3A : memref<!tpu.dma_semaphore, #tpu.memory_space<semaphore_mem>>)
        %dma_wait3A = tpu.memref_slice %arg6[%mul3A_85] : memref<32768xi32, #tpu.memory_space<hbm>> -> memref<4096xi32, #tpu.memory_space<hbm>>
        %dma_wait3A_98 = tpu.memref_slice %arg6[%mul3A_85] : memref<32768xi32, #tpu.memory_space<hbm>> -> memref<4096xi32, #tpu.memory_space<hbm>>
        tpu.wait_dma2 semaphore(%run_scoped3A : memref<!tpu.dma_semaphore, #tpu.memory_space<semaphore_mem>>) src(%dma_wait3A_98 : memref<4096xi32, #tpu.memory_space<hbm>>) dst(%arg9 : memref<4096xi32, #tpu.memory_space<vmem>>)
        tpu.yield
      }) : () -> ()
      %scan3A_86 = arith.constant 0 : i32
      %scan3A_87 = arith.constant 0 : i32
      %scan3A_88 = arith.constant 64 : i32
      %scan3A_89 = arith.addi %scan3A_87, %scan3A_88 : i32
      %scan3A_90 = arith.constant 1 : i32
      %scan3A_91 = scf.for %scan3A_97 = %scan3A_87 to %scan3A_89 step %scan3A_90 iter_args(%scan3A_98 = %scan3A_86) -> (i32)  : i32 {
        %mul3A_99 = arith.constant 16 : i32
        %mul3A_100 = arith.muli %scan3A_97, %mul3A_99 : i32
        %mul3A_101 = arith.constant 16 : i32
        %mul3A_102 = arith.muli %scan3A_97, %mul3A_101 : i32
        %get3A = arith.index_cast %mul3A_102 : i32 to index
        %get3A_103 = tpu.vector_load %arg9[%get3A] {strides = array<i32>} : memref<4096xi32, #tpu.memory_space<vmem>>, vector<16xi32>,
        %mul3A_104 = arith.constant 16 : i32
        %mul3A_105 = arith.muli %scan3A_97, %mul3A_104 : i32
        %add3A_106 = arith.constant 1024 : i32
        %add3A_107 = arith.addi %add3A_106, %mul3A_105 : i32
        %get3A_108 = arith.index_cast %add3A_107 : i32 to index
        %get3A_109 = tpu.vector_load %arg9[%get3A_108] {strides = array<i32>} : memref<4096xi32, #tpu.memory_space<vmem>>, vector<16xi32>,
        %add3A_110 = arith.addi %get3A_103, %get3A_109 : vector<16xi32>
        %mul3A_111 = arith.constant 16 : i32
        %mul3A_112 = arith.muli %scan3A_97, %mul3A_111 : i32
        %add3A_113 = arith.constant 2048 : i32
        %add3A_114 = arith.addi %add3A_113, %mul3A_112 : i32
        %get3A_115 = arith.index_cast %add3A_114 : i32 to index
        %get3A_116 = tpu.vector_load %arg9[%get3A_115] {strides = array<i32>} : memref<4096xi32, #tpu.memory_space<vmem>>, vector<16xi32>,
        %add3A_117 = arith.addi %add3A_110, %get3A_116 : vector<16xi32>
        %mul3A_118 = arith.constant 16 : i32
        %mul3A_119 = arith.muli %scan3A_97, %mul3A_118 : i32
        %add3A_120 = arith.constant 3072 : i32
        %add3A_121 = arith.addi %add3A_120, %mul3A_119 : i32
        %get3A_122 = arith.index_cast %add3A_121 : i32 to index
        %get3A_123 = tpu.vector_load %arg9[%get3A_122] {strides = array<i32>} : memref<4096xi32, #tpu.memory_space<vmem>>, vector<16xi32>,
        %add3A_124 = arith.addi %add3A_117, %get3A_123 : vector<16xi32>
        %gt3A = arith.constant 0 : i32
        %gt3A_125 = vector.broadcast %gt3A : i32 to vector<16xi32>
        %gt3A_126 = arith.cmpi sgt, %add3A_124, %gt3A_125 : vector<16xi32>
        %jit3A_127 = arith.constant 1 : i32
        %jit3A_128 = arith.constant 0 : i32
        %broadcast_in_dim3A_129 = vector.broadcast %jit3A_127 : i32 to vector<16xi32>
        %broadcast_in_dim3A_130 = vector.broadcast %jit3A_128 : i32 to vector<16xi32>
        %select_n3A_131 = arith.select %gt3A_126, %broadcast_in_dim3A_129, %broadcast_in_dim3A_130 : vector<16xi1>, vector<16xi32>
        %broadcast_in_dim3A_132 = arith.constant true
        %broadcast_in_dim3A_133 = vector.broadcast %broadcast_in_dim3A_132 : i1 to vector<16xi1>
        %masked_cumsum3A = tpu.scan <sum>, %select_n3A_131 masked %broadcast_in_dim3A_133 : vector<16xi32>, vector<16xi1> -> vector<16xi32>
        %sub3A_134 = arith.subi %masked_cumsum3A, %select_n3A_131 : vector<16xi32>
        %add3A_135 = vector.broadcast %scan3A_98 : i32 to vector<16xi32>
        %add3A_136 = arith.addi %sub3A_134, %add3A_135 : vector<16xi32>
        %swap3A = arith.index_cast %mul3A_100 : i32 to index
        %swap3A_137 = tpu.vector_load %arg11[%swap3A] {strides = array<i32>} : memref<1024xi32, #tpu.memory_space<vmem>>, vector<16xi32>,
        tpu.vector_store %arg11[%swap3A], %add3A_136 {strides = array<i32>} : memref<1024xi32, #tpu.memory_space<vmem>>, vector<16xi32>,
        %swap3A_138 = arith.index_cast %mul3A_100 : i32 to index
        %swap3A_139 = tpu.vector_load %arg10[%swap3A_138] {strides = array<i32>} : memref<1024xi32, #tpu.memory_space<vmem>>, vector<16xi32>,
        tpu.vector_store %arg10[%swap3A_138], %add3A_124 {strides = array<i32>} : memref<1024xi32, #tpu.memory_space<vmem>>, vector<16xi32>,
        %reduce_sum3A = arith.constant true
        %reduce_sum3A_140 = vector.broadcast %reduce_sum3A : i1 to vector<16xi1>
        %reduce_sum3A_141 = tpu.scan <sum>, %select_n3A_131 masked %reduce_sum3A_140 : vector<16xi32>, vector<16xi1> -> vector<16xi32>
        %reduce_sum3A_142 = vector.extract %reduce_sum3A_141[15] : i32 from vector<16xi32>
        %add3A_143 = arith.addi %scan3A_98, %reduce_sum3A_142 : i32
        scf.yield %add3A_143 : i32
      }
      %scan3A_92 = arith.constant 64 : i32
      %mul3A_93 = arith.constant 1024 : i32
      %mul3A_94 = arith.muli %add3A, %mul3A_93 : i32
      "tpu.region"() ({
        %run_scoped3A = tpu.sem_alloc : memref<!tpu.dma_semaphore, #tpu.memory_space<semaphore_mem>>
        %dma_start3A = tpu.memref_slice %arg5[%mul3A_94] : memref<8192xi32, #tpu.memory_space<hbm>> -> memref<1024xi32, #tpu.memory_space<hbm>>
        %dma_start3A_97 = tpu.memref_slice %arg5[%mul3A_94] : memref<8192xi32, #tpu.memory_space<hbm>> -> memref<1024xi32, #tpu.memory_space<hbm>>
        tpu.enqueue_dma source(%arg11 : memref<1024xi32, #tpu.memory_space<vmem>>) target(%dma_start3A_97 : memref<1024xi32, #tpu.memory_space<hbm>>) target_semaphore(%run_scoped3A : memref<!tpu.dma_semaphore, #tpu.memory_space<semaphore_mem>>)
        %dma_wait3A = tpu.memref_slice %arg5[%mul3A_94] : memref<8192xi32, #tpu.memory_space<hbm>> -> memref<1024xi32, #tpu.memory_space<hbm>>
        %dma_wait3A_98 = tpu.memref_slice %arg5[%mul3A_94] : memref<8192xi32, #tpu.memory_space<hbm>> -> memref<1024xi32, #tpu.memory_space<hbm>>
        tpu.wait_dma2 semaphore(%run_scoped3A : memref<!tpu.dma_semaphore, #tpu.memory_space<semaphore_mem>>) src(%arg11 : memref<1024xi32, #tpu.memory_space<vmem>>) dst(%dma_wait3A_98 : memref<1024xi32, #tpu.memory_space<hbm>>)
        tpu.yield
      }) : () -> ()
      %mul3A_95 = arith.constant 1024 : i32
      %mul3A_96 = arith.muli %add3A, %mul3A_95 : i32
      "tpu.region"() ({
        %run_scoped3A = tpu.sem_alloc : memref<!tpu.dma_semaphore, #tpu.memory_space<semaphore_mem>>
        %dma_start3A = tpu.memref_slice %arg4[%mul3A_96] : memref<8192xi32, #tpu.memory_space<hbm>> -> memref<1024xi32, #tpu.memory_space<hbm>>
        %dma_start3A_97 = tpu.memref_slice %arg4[%mul3A_96] : memref<8192xi32, #tpu.memory_space<hbm>> -> memref<1024xi32, #tpu.memory_space<hbm>>
        tpu.enqueue_dma source(%arg10 : memref<1024xi32, #tpu.memory_space<vmem>>) target(%dma_start3A_97 : memref<1024xi32, #tpu.memory_space<hbm>>) target_semaphore(%run_scoped3A : memref<!tpu.dma_semaphore, #tpu.memory_space<semaphore_mem>>)
        %dma_wait3A = tpu.memref_slice %arg4[%mul3A_96] : memref<8192xi32, #tpu.memory_space<hbm>> -> memref<1024xi32, #tpu.memory_space<hbm>>
        %dma_wait3A_98 = tpu.memref_slice %arg4[%mul3A_96] : memref<8192xi32, #tpu.memory_space<hbm>> -> memref<1024xi32, #tpu.memory_space<hbm>>
        tpu.wait_dma2 semaphore(%run_scoped3A : memref<!tpu.dma_semaphore, #tpu.memory_space<semaphore_mem>>) src(%arg10 : memref<1024xi32, #tpu.memory_space<vmem>>) dst(%dma_wait3A_98 : memref<1024xi32, #tpu.memory_space<hbm>>)
        tpu.yield
      }) : () -> ()
    } else {
    }
    %barrier3A_69 = arith.constant 0 : index
    tpu.barrier barrier_id(%barrier3A_69)
    %mul3A_70 = arith.constant 1024 : i32
    %mul3A_71 = arith.muli %add3A, %mul3A_70 : i32
    "tpu.region"() ({
      %run_scoped3A = tpu.sem_alloc : memref<!tpu.dma_semaphore, #tpu.memory_space<semaphore_mem>>
      %dma_start3A = tpu.memref_slice %arg5[%mul3A_71] : memref<8192xi32, #tpu.memory_space<hbm>> -> memref<1024xi32, #tpu.memory_space<hbm>>
      %dma_start3A_84 = tpu.memref_slice %arg5[%mul3A_71] : memref<8192xi32, #tpu.memory_space<hbm>> -> memref<1024xi32, #tpu.memory_space<hbm>>
      tpu.enqueue_dma source(%dma_start3A_84 : memref<1024xi32, #tpu.memory_space<hbm>>) target(%arg11 : memref<1024xi32, #tpu.memory_space<vmem>>) target_semaphore(%run_scoped3A : memref<!tpu.dma_semaphore, #tpu.memory_space<semaphore_mem>>)
      %dma_wait3A = tpu.memref_slice %arg5[%mul3A_71] : memref<8192xi32, #tpu.memory_space<hbm>> -> memref<1024xi32, #tpu.memory_space<hbm>>
      %dma_wait3A_85 = tpu.memref_slice %arg5[%mul3A_71] : memref<8192xi32, #tpu.memory_space<hbm>> -> memref<1024xi32, #tpu.memory_space<hbm>>
      tpu.wait_dma2 semaphore(%run_scoped3A : memref<!tpu.dma_semaphore, #tpu.memory_space<semaphore_mem>>) src(%dma_wait3A_85 : memref<1024xi32, #tpu.memory_space<hbm>>) dst(%arg11 : memref<1024xi32, #tpu.memory_space<vmem>>)
      tpu.yield
    }) : () -> ()
    %scan3A_72 = arith.constant 0 : i32
    %scan3A_73 = arith.constant 0 : i32
    %scan3A_74 = arith.constant 98 : i32
    %scan3A_75 = arith.addi %scan3A_73, %scan3A_74 : i32
    %scan3A_76 = arith.constant 1 : i32
    %scan3A_77 = scf.for %scan3A_84 = %scan3A_73 to %scan3A_75 step %scan3A_76 iter_args(%scan3A_85 = %scan3A_72) -> (i32)  : i32 {
      %mul3A_86 = arith.constant 8 : i32
      %mul3A_87 = arith.muli %scan3A_84, %mul3A_86 : i32
      %add3A_88 = arith.constant 0 : i32
      %add3A_89 = arith.addi %mul3A_87, %add3A_88 : i32
      %mul3A_90 = arith.constant 16 : i32
      %mul3A_91 = arith.muli %add3A_89, %mul3A_90 : i32
      %get3A = arith.index_cast %mul3A_91 : i32 to index
      %get3A_92 = tpu.vector_load %arg7[%get3A] {strides = array<i32>} : memref<12544xi32, #tpu.memory_space<vmem>>, vector<16xi32>,
      %gather3A = tpu.vector_load_idx %arg11[%get3A_92] : memref<1024xi32, #tpu.memory_space<vmem>>[vector<16xi32>], vector<16xi32>,
      %swap3A = arith.index_cast %mul3A_91 : i32 to index
      %swap3A_93 = tpu.vector_load %arg12[%swap3A] {strides = array<i32>} : memref<12544xi32, #tpu.memory_space<vmem>>, vector<16xi32>,
      tpu.vector_store %arg12[%swap3A], %gather3A {strides = array<i32>} : memref<12544xi32, #tpu.memory_space<vmem>>, vector<16xi32>,
      %mul3A_94 = arith.constant 8 : i32
      %mul3A_95 = arith.muli %scan3A_84, %mul3A_94 : i32
      %add3A_96 = arith.constant 1 : i32
      %add3A_97 = arith.addi %mul3A_95, %add3A_96 : i32
      %mul3A_98 = arith.constant 16 : i32
      %mul3A_99 = arith.muli %add3A_97, %mul3A_98 : i32
      %get3A_100 = arith.index_cast %mul3A_99 : i32 to index
      %get3A_101 = tpu.vector_load %arg7[%get3A_100] {strides = array<i32>} : memref<12544xi32, #tpu.memory_space<vmem>>, vector<16xi32>,
      %gather3A_102 = tpu.vector_load_idx %arg11[%get3A_101] : memref<1024xi32, #tpu.memory_space<vmem>>[vector<16xi32>], vector<16xi32>,
      %swap3A_103 = arith.index_cast %mul3A_99 : i32 to index
      %swap3A_104 = tpu.vector_load %arg12[%swap3A_103] {strides = array<i32>} : memref<12544xi32, #tpu.memory_space<vmem>>, vector<16xi32>,
      tpu.vector_store %arg12[%swap3A_103], %gather3A_102 {strides = array<i32>} : memref<12544xi32, #tpu.memory_space<vmem>>, vector<16xi32>,
      %mul3A_105 = arith.constant 8 : i32
      %mul3A_106 = arith.muli %scan3A_84, %mul3A_105 : i32
      %add3A_107 = arith.constant 2 : i32
      %add3A_108 = arith.addi %mul3A_106, %add3A_107 : i32
      %mul3A_109 = arith.constant 16 : i32
      %mul3A_110 = arith.muli %add3A_108, %mul3A_109 : i32
      %get3A_111 = arith.index_cast %mul3A_110 : i32 to index
      %get3A_112 = tpu.vector_load %arg7[%get3A_111] {strides = array<i32>} : memref<12544xi32, #tpu.memory_space<vmem>>, vector<16xi32>,
      %gather3A_113 = tpu.vector_load_idx %arg11[%get3A_112] : memref<1024xi32, #tpu.memory_space<vmem>>[vector<16xi32>], vector<16xi32>,
      %swap3A_114 = arith.index_cast %mul3A_110 : i32 to index
      %swap3A_115 = tpu.vector_load %arg12[%swap3A_114] {strides = array<i32>} : memref<12544xi32, #tpu.memory_space<vmem>>, vector<16xi32>,
      tpu.vector_store %arg12[%swap3A_114], %gather3A_113 {strides = array<i32>} : memref<12544xi32, #tpu.memory_space<vmem>>, vector<16xi32>,
      %mul3A_116 = arith.constant 8 : i32
      %mul3A_117 = arith.muli %scan3A_84, %mul3A_116 : i32
      %add3A_118 = arith.constant 3 : i32
      %add3A_119 = arith.addi %mul3A_117, %add3A_118 : i32
      %mul3A_120 = arith.constant 16 : i32
      %mul3A_121 = arith.muli %add3A_119, %mul3A_120 : i32
      %get3A_122 = arith.index_cast %mul3A_121 : i32 to index
      %get3A_123 = tpu.vector_load %arg7[%get3A_122] {strides = array<i32>} : memref<12544xi32, #tpu.memory_space<vmem>>, vector<16xi32>,
      %gather3A_124 = tpu.vector_load_idx %arg11[%get3A_123] : memref<1024xi32, #tpu.memory_space<vmem>>[vector<16xi32>], vector<16xi32>,
      %swap3A_125 = arith.index_cast %mul3A_121 : i32 to index
      %swap3A_126 = tpu.vector_load %arg12[%swap3A_125] {strides = array<i32>} : memref<12544xi32, #tpu.memory_space<vmem>>, vector<16xi32>,
      tpu.vector_store %arg12[%swap3A_125], %gather3A_124 {strides = array<i32>} : memref<12544xi32, #tpu.memory_space<vmem>>, vector<16xi32>,
      %mul3A_127 = arith.constant 8 : i32
      %mul3A_128 = arith.muli %scan3A_84, %mul3A_127 : i32
      %add3A_129 = arith.constant 4 : i32
      %add3A_130 = arith.addi %mul3A_128, %add3A_129 : i32
      %mul3A_131 = arith.constant 16 : i32
      %mul3A_132 = arith.muli %add3A_130, %mul3A_131 : i32
      %get3A_133 = arith.index_cast %mul3A_132 : i32 to index
      %get3A_134 = tpu.vector_load %arg7[%get3A_133] {strides = array<i32>} : memref<12544xi32, #tpu.memory_space<vmem>>, vector<16xi32>,
      %gather3A_135 = tpu.vector_load_idx %arg11[%get3A_134] : memref<1024xi32, #tpu.memory_space<vmem>>[vector<16xi32>], vector<16xi32>,
      %swap3A_136 = arith.index_cast %mul3A_132 : i32 to index
      %swap3A_137 = tpu.vector_load %arg12[%swap3A_136] {strides = array<i32>} : memref<12544xi32, #tpu.memory_space<vmem>>, vector<16xi32>,
      tpu.vector_store %arg12[%swap3A_136], %gather3A_135 {strides = array<i32>} : memref<12544xi32, #tpu.memory_space<vmem>>, vector<16xi32>,
      %mul3A_138 = arith.constant 8 : i32
      %mul3A_139 = arith.muli %scan3A_84, %mul3A_138 : i32
      %add3A_140 = arith.constant 5 : i32
      %add3A_141 = arith.addi %mul3A_139, %add3A_140 : i32
      %mul3A_142 = arith.constant 16 : i32
      %mul3A_143 = arith.muli %add3A_141, %mul3A_142 : i32
      %get3A_144 = arith.index_cast %mul3A_143 : i32 to index
      %get3A_145 = tpu.vector_load %arg7[%get3A_144] {strides = array<i32>} : memref<12544xi32, #tpu.memory_space<vmem>>, vector<16xi32>,
      %gather3A_146 = tpu.vector_load_idx %arg11[%get3A_145] : memref<1024xi32, #tpu.memory_space<vmem>>[vector<16xi32>], vector<16xi32>,
      %swap3A_147 = arith.index_cast %mul3A_143 : i32 to index
      %swap3A_148 = tpu.vector_load %arg12[%swap3A_147] {strides = array<i32>} : memref<12544xi32, #tpu.memory_space<vmem>>, vector<16xi32>,
      tpu.vector_store %arg12[%swap3A_147], %gather3A_146 {strides = array<i32>} : memref<12544xi32, #tpu.memory_space<vmem>>, vector<16xi32>,
      %mul3A_149 = arith.constant 8 : i32
      %mul3A_150 = arith.muli %scan3A_84, %mul3A_149 : i32
      %add3A_151 = arith.constant 6 : i32
      %add3A_152 = arith.addi %mul3A_150, %add3A_151 : i32
      %mul3A_153 = arith.constant 16 : i32
      %mul3A_154 = arith.muli %add3A_152, %mul3A_153 : i32
      %get3A_155 = arith.index_cast %mul3A_154 : i32 to index
      %get3A_156 = tpu.vector_load %arg7[%get3A_155] {strides = array<i32>} : memref<12544xi32, #tpu.memory_space<vmem>>, vector<16xi32>,
      %gather3A_157 = tpu.vector_load_idx %arg11[%get3A_156] : memref<1024xi32, #tpu.memory_space<vmem>>[vector<16xi32>], vector<16xi32>,
      %swap3A_158 = arith.index_cast %mul3A_154 : i32 to index
      %swap3A_159 = tpu.vector_load %arg12[%swap3A_158] {strides = array<i32>} : memref<12544xi32, #tpu.memory_space<vmem>>, vector<16xi32>,
      tpu.vector_store %arg12[%swap3A_158], %gather3A_157 {strides = array<i32>} : memref<12544xi32, #tpu.memory_space<vmem>>, vector<16xi32>,
      %mul3A_160 = arith.constant 8 : i32
      %mul3A_161 = arith.muli %scan3A_84, %mul3A_160 : i32
      %add3A_162 = arith.constant 7 : i32
      %add3A_163 = arith.addi %mul3A_161, %add3A_162 : i32
      %mul3A_164 = arith.constant 16 : i32
      %mul3A_165 = arith.muli %add3A_163, %mul3A_164 : i32
      %get3A_166 = arith.index_cast %mul3A_165 : i32 to index
      %get3A_167 = tpu.vector_load %arg7[%get3A_166] {strides = array<i32>} : memref<12544xi32, #tpu.memory_space<vmem>>, vector<16xi32>,
      %gather3A_168 = tpu.vector_load_idx %arg11[%get3A_167] : memref<1024xi32, #tpu.memory_space<vmem>>[vector<16xi32>], vector<16xi32>,
      %swap3A_169 = arith.index_cast %mul3A_165 : i32 to index
      %swap3A_170 = tpu.vector_load %arg12[%swap3A_169] {strides = array<i32>} : memref<12544xi32, #tpu.memory_space<vmem>>, vector<16xi32>,
      tpu.vector_store %arg12[%swap3A_169], %gather3A_168 {strides = array<i32>} : memref<12544xi32, #tpu.memory_space<vmem>>, vector<16xi32>,
      %scan3A_171 = arith.constant 0 : i32
      scf.yield %scan3A_171 : i32
    }
    %scan3A_78 = arith.constant 98 : i32
    %mul3A_79 = arith.constant 50176 : i32
    %mul3A_80 = arith.muli %add3A, %mul3A_79 : i32
    %mul3A_81 = arith.constant 12544 : i32
    %mul3A_82 = arith.muli %select_n3A_30, %mul3A_81 : i32
    %add3A_83 = arith.addi %mul3A_80, %mul3A_82 : i32
    "tpu.region"() ({
      %run_scoped3A = tpu.sem_alloc : memref<!tpu.dma_semaphore, #tpu.memory_space<semaphore_mem>>
      %dma_start3A = tpu.memref_slice %arg3[%add3A_83] : memref<401408xi32, #tpu.memory_space<hbm>> -> memref<12544xi32, #tpu.memory_space<hbm>>
      %dma_start3A_84 = tpu.memref_slice %arg3[%add3A_83] : memref<401408xi32, #tpu.memory_space<hbm>> -> memref<12544xi32, #tpu.memory_space<hbm>>
      tpu.enqueue_dma source(%arg12 : memref<12544xi32, #tpu.memory_space<vmem>>) target(%dma_start3A_84 : memref<12544xi32, #tpu.memory_space<hbm>>) target_semaphore(%run_scoped3A : memref<!tpu.dma_semaphore, #tpu.memory_space<semaphore_mem>>)
      %dma_wait3A = tpu.memref_slice %arg3[%add3A_83] : memref<401408xi32, #tpu.memory_space<hbm>> -> memref<12544xi32, #tpu.memory_space<hbm>>
      %dma_wait3A_85 = tpu.memref_slice %arg3[%add3A_83] : memref<401408xi32, #tpu.memory_space<hbm>> -> memref<12544xi32, #tpu.memory_space<hbm>>
      tpu.wait_dma2 semaphore(%run_scoped3A : memref<!tpu.dma_semaphore, #tpu.memory_space<semaphore_mem>>) src(%arg12 : memref<12544xi32, #tpu.memory_space<vmem>>) dst(%dma_wait3A_85 : memref<12544xi32, #tpu.memory_space<hbm>>)
      tpu.yield
    }) : () -> ()
    return
  }
}

module attributes {stable_mosaic.version = 14 : i64} {
  func.func @_pos_body(%arg0: i32, %arg1: memref<128x64x64xf32, #tpu.memory_space<vmem>>, %arg2: memref<32x64xf32, #tpu.memory_space<vmem>>, %arg3: memref<64x224xf32, #tpu.memory_space<vmem>>, %arg4: memref<128x32x224xbf16, #tpu.memory_space<vmem>>, %arg5: memref<128x64x224xf32, #tpu.memory_space<vmem>>) attributes {dimension_semantics = [#tpu.dimension_semantics<arbitrary>], iteration_bounds = array<i64: 7>, scalar_prefetch = 0 : i64, scratch_operands = 1 : i64, tpu.core_type = #tpu.core_type<tc>, window_params = [{pipeline_mode = #tpu.pipeline_mode<synchronous>, transform_indices = @transform_0, window_bounds = array<i64: 128, 64, 64>}, {transform_indices = @transform_1, window_bounds = array<i64: 32, 64>}, {pipeline_mode = #tpu.pipeline_mode<synchronous>, transform_indices = @transform_2, window_bounds = array<i64: 64, 224>}, {transform_indices = @transform_3, window_bounds = array<i64: 128, 32, 224>}]} {
    %eq3A = arith.constant 0 : i32
    %eq3A_0 = arith.cmpi eq, %arg0, %eq3A : i32
    %convert_element_type3A = arith.extui %eq3A_0 : i1 to i32
    %cond3A = arith.constant 0 : i32
    %cond3A_1 = arith.cmpi ne, %convert_element_type3A, %cond3A : i32
    scf.if %cond3A_1 {
      %get3A_15 = arith.constant 0 : index
      %get3A_16 = arith.constant 0 : index
      %get3A_17 = arith.constant 0 : index
      %get3A_18 = vector.load %arg1[%get3A_15, %get3A_16, %get3A_17] : memref<128x64x64xf32, #tpu.memory_space<vmem>>, vector<128x64x64xf32>
      %get3A_19 = arith.constant 0 : index
      %get3A_20 = arith.constant 0 : index
      %get3A_21 = vector.load %arg3[%get3A_19, %get3A_20] : memref<64x224xf32, #tpu.memory_space<vmem>>, vector<64x224xf32>
      %dot_general3A_22 = arith.constant dense<0.000000e+00> : vector<128x64x224xf32>
      %dot_general3A_23 = tpu.matmul %get3A_18, %get3A_21, %dot_general3A_22 {dimension_numbers = #tpu.dot_dimension_numbers<[2], [0], [0, 1], [1], [0, 0, 0, 1, 1, 1], [], []>, transpose_lhs_hint = false} : vector<128x64x64xf32>, vector<64x224xf32>, vector<128x64x224xf32> -> vector<128x64x224xf32>
      %swap3A_24 = arith.constant 0 : index
      %swap3A_25 = arith.constant 0 : index
      %swap3A_26 = arith.constant 0 : index
      %swap3A_27 = vector.load %arg5[%swap3A_24, %swap3A_25, %swap3A_26] : memref<128x64x224xf32, #tpu.memory_space<vmem>>, vector<128x64x224xf32>
      tpu.vector_store %arg5[%swap3A_24, %swap3A_25, %swap3A_26], %dot_general3A_23 {strides = array<i32>} : memref<128x64x224xf32, #tpu.memory_space<vmem>>, vector<128x64x224xf32>,
    } else {
    }
    %get3A = arith.constant 0 : index
    %get3A_2 = arith.constant 0 : index
    %get3A_3 = vector.load %arg2[%get3A, %get3A_2] : memref<32x64xf32, #tpu.memory_space<vmem>>, vector<32x64xf32>
    %broadcast_in_dim3A = vector.shape_cast %get3A_3 : vector<32x64xf32> to vector<1x32x64xf32>
    %broadcast_in_dim3A_4 = vector.shape_cast %broadcast_in_dim3A : vector<1x32x64xf32> to vector<1x32x64xf32>
    %broadcast_in_dim3A_5 = vector.broadcast %broadcast_in_dim3A_4 : vector<1x32x64xf32> to vector<128x32x64xf32>
    %get3A_6 = arith.constant 0 : index
    %get3A_7 = arith.constant 0 : index
    %get3A_8 = arith.constant 0 : index
    %get3A_9 = vector.load %arg5[%get3A_6, %get3A_7, %get3A_8] : memref<128x64x224xf32, #tpu.memory_space<vmem>>, vector<128x64x224xf32>
    %dot_general3A = arith.constant dense<0.000000e+00> : vector<128x32x224xf32>
    %dot_general3A_10 = tpu.matmul %broadcast_in_dim3A_5, %get3A_9, %dot_general3A {dimension_numbers = #tpu.dot_dimension_numbers<[2], [1], [1], [2], [0, 0, 0, 1, 1, 2], [0], [0]>, transpose_lhs_hint = false} : vector<128x32x64xf32>, vector<128x64x224xf32>, vector<128x32x224xf32> -> vector<128x32x224xf32>
    %convert_element_type3A_11 = arith.truncf %dot_general3A_10 : vector<128x32x224xf32> to vector<128x32x224xbf16>
    %swap3A = arith.constant 0 : index
    %swap3A_12 = arith.constant 0 : index
    %swap3A_13 = arith.constant 0 : index
    %swap3A_14 = vector.load %arg4[%swap3A, %swap3A_12, %swap3A_13] : memref<128x32x224xbf16, #tpu.memory_space<vmem>>, vector<128x32x224xbf16>
    tpu.vector_store %arg4[%swap3A, %swap3A_12, %swap3A_13], %convert_element_type3A_11 {strides = array<i32>} : memref<128x32x224xbf16, #tpu.memory_space<vmem>>, vector<128x32x224xbf16>,
    return
  }
  func.func @transform_0(%arg0: i32) -> (i32, i32, i32) {
    %c0_i32 = arith.constant 0 : i32
    %c0_i32_0 = arith.constant 0 : i32
    %c0_i32_1 = arith.constant 0 : i32
    %c0_i32_2 = arith.constant 0 : i32
    return %c0_i32, %c0_i32_0, %c0_i32_1 : i32, i32, i32
  }
  func.func @transform_1(%arg0: i32) -> (i32, i32) {
    %c0_i32 = arith.constant 0 : i32
    %c0_i32_0 = arith.constant 0 : i32
    return %arg0, %c0_i32 : i32, i32
  }
  func.func @transform_2(%arg0: i32) -> (i32, i32) {
    %c0_i32 = arith.constant 0 : i32
    %c0_i32_0 = arith.constant 0 : i32
    %c0_i32_1 = arith.constant 0 : i32
    return %c0_i32, %c0_i32_0 : i32, i32
  }
  func.func @transform_3(%arg0: i32) -> (i32, i32, i32) {
    %c0_i32 = arith.constant 0 : i32
    %c0_i32_0 = arith.constant 0 : i32
    %c0_i32_1 = arith.constant 0 : i32
    return %c0_i32, %arg0, %c0_i32_0 : i32, i32, i32
  }
}

module attributes {stable_mosaic.version = 14 : i64} {
  func.func @_main_body(%arg0: i32, %arg1: memref<8x3x1792xf32, #tpu.memory_space<vmem>>, %arg2: memref<8x1x1792xi32, #tpu.memory_space<vmem>>, %arg3: memref<128x1792xbf16, #tpu.memory_space<vmem>>, %arg4: memref<3x128xf32, #tpu.memory_space<vmem>>, %arg5: memref<128x1xf32, #tpu.memory_space<vmem>>, %arg6: memref<8x128x1024xf32, #tpu.memory_space<vmem>>) attributes {dimension_semantics = [#tpu.dimension_semantics<arbitrary>], iteration_bounds = array<i64: 28>, scalar_prefetch = 0 : i64, scratch_operands = 0 : i64, tpu.core_type = #tpu.core_type<tc>, window_params = [{transform_indices = @transform_0, window_bounds = array<i64: 8, 3, 1792>}, {transform_indices = @transform_1, window_bounds = array<i64: 8, 1, 1792>}, {transform_indices = @transform_2, window_bounds = array<i64: 128, 1792>}, {pipeline_mode = #tpu.pipeline_mode<synchronous>, transform_indices = @transform_3, window_bounds = array<i64: 3, 128>}, {pipeline_mode = #tpu.pipeline_mode<synchronous>, transform_indices = @transform_4, window_bounds = array<i64: 128, 1>}, {pipeline_mode = #tpu.pipeline_mode<synchronous>, transform_indices = @transform_5, window_bounds = array<i64: 8, 128, 1024>}]} {
    %eq3A = arith.constant 0 : i32
    %eq3A_0 = arith.cmpi eq, %arg0, %eq3A : i32
    %convert_element_type3A = arith.extui %eq3A_0 : i1 to i32
    %cond3A = arith.constant 0 : i32
    %cond3A_1 = arith.cmpi ne, %convert_element_type3A, %cond3A : i32
    scf.if %cond3A_1 {
      %broadcast_in_dim3A_388 = arith.constant 0.000000e+00 : f32
      %broadcast_in_dim3A_389 = vector.broadcast %broadcast_in_dim3A_388 : f32 to vector<8x128x1024xf32>
      %swap3A_390 = arith.constant 0 : index
      %swap3A_391 = arith.constant 0 : index
      %swap3A_392 = arith.constant 0 : index
      %swap3A_393 = vector.load %arg6[%swap3A_390, %swap3A_391, %swap3A_392] : memref<8x128x1024xf32, #tpu.memory_space<vmem>>, vector<8x128x1024xf32>
      tpu.vector_store %arg6[%swap3A_390, %swap3A_391, %swap3A_392], %broadcast_in_dim3A_389 {strides = array<i32>} : memref<8x128x1024xf32, #tpu.memory_space<vmem>>, vector<8x128x1024xf32>,
    } else {
    }
    %get3A = arith.constant 0 : index
    %get3A_2 = arith.constant 0 : index
    %get3A_3 = vector.load %arg3[%get3A, %get3A_2] : memref<128x1792xbf16, #tpu.memory_space<vmem>>, vector<128x1792xbf16>
    %iota3A = tpu.iota {dimensions = array<i32: 1>} : vector<1792x1024xi16>
    %get3A_4 = arith.constant 0 : index
    %get3A_5 = arith.constant 0 : index
    %get3A_6 = arith.constant 0 : index
    %get3A_7 = vector.load %arg1[%get3A_4, %get3A_5, %get3A_6] : memref<8x3x1792xf32, #tpu.memory_space<vmem>>, vector<1x3x1792xf32>
    %get3A_8 = vector.shape_cast %get3A_7 : vector<1x3x1792xf32> to vector<3x1792xf32>
    %get3A_9 = arith.constant 0 : index
    %get3A_10 = arith.constant 0 : index
    %get3A_11 = vector.load %arg4[%get3A_9, %get3A_10] : memref<3x128xf32, #tpu.memory_space<vmem>>, vector<3x128xf32>
    %dot_general3A = arith.constant dense<0.000000e+00> : vector<128x1792xf32>
    %dot_general3A_12 = tpu.matmul %get3A_11, %get3A_8, %dot_general3A {dimension_numbers = #tpu.dot_dimension_numbers<[0], [0], [1], [1], [0, 1, 1, 1], [], []>, transpose_lhs_hint = false} : vector<3x128xf32>, vector<3x1792xf32>, vector<128x1792xf32> -> vector<128x1792xf32>
    %get3A_13 = arith.constant 0 : index
    %get3A_14 = arith.constant 0 : index
    %get3A_15 = vector.load %arg5[%get3A_13, %get3A_14] : memref<128x1xf32, #tpu.memory_space<vmem>>, vector<128x1xf32>
    %add3A = vector.broadcast %get3A_15 : vector<128x1xf32> to vector<128x1792xf32>
    %add3A_16 = arith.addf %dot_general3A_12, %add3A : vector<128x1792xf32>
    %max3A = arith.constant 0.000000e+00 : f32
    %max3A_17 = vector.broadcast %max3A : f32 to vector<128x1792xf32>
    %max3A_18 = arith.maximumf %add3A_16, %max3A_17 : vector<128x1792xf32>
    %convert_element_type3A_19 = arith.truncf %max3A_18 : vector<128x1792xf32> to vector<128x1792xbf16>
    %add3A_20 = arith.addf %convert_element_type3A_19, %get3A_3 : vector<128x1792xbf16>
    %get3A_21 = arith.constant 0 : index
    %get3A_22 = arith.constant 0 : index
    %get3A_23 = arith.constant 0 : index
    %get3A_24 = vector.load %arg2[%get3A_21, %get3A_22, %get3A_23] : memref<8x1x1792xi32, #tpu.memory_space<vmem>>, vector<1x1x1792xi32>
    %get3A_25 = vector.shape_cast %get3A_24 : vector<1x1x1792xi32> to vector<1x1792xi32>
    %transpose3A = tpu.transpose %get3A_25, [1, 0] : vector<1x1792xi32> -> vector<1792x1xi32>
    %convert_element_type3A_26 = arith.trunci %transpose3A : vector<1792x1xi32> to vector<1792x1xi16>
    %broadcast_in_dim3A = vector.shape_cast %convert_element_type3A_26 : vector<1792x1xi16> to vector<1792x1xi16>
    %broadcast_in_dim3A_27 = vector.broadcast %broadcast_in_dim3A : vector<1792x1xi16> to vector<1792x1024xi16>
    %eq3A_28 = arith.cmpi eq, %broadcast_in_dim3A_27, %iota3A : vector<1792x1024xi16>
    %jit3A = arith.constant 1.000000e+00 : bf16
    %jit3A_29 = arith.constant 0.000000e+00 : bf16
    %broadcast_in_dim3A_30 = vector.broadcast %jit3A : bf16 to vector<1792x1024xbf16>
    %broadcast_in_dim3A_31 = vector.broadcast %jit3A_29 : bf16 to vector<1792x1024xbf16>
    %select_n3A = arith.select %eq3A_28, %broadcast_in_dim3A_30, %broadcast_in_dim3A_31 : vector<1792x1024xi1>, vector<1792x1024xbf16>
    %get3A_32 = arith.constant 0 : index
    %get3A_33 = arith.constant 0 : index
    %get3A_34 = arith.constant 0 : index
    %get3A_35 = vector.load %arg6[%get3A_32, %get3A_33, %get3A_34] : memref<8x128x1024xf32, #tpu.memory_space<vmem>>, vector<1x128x1024xf32>
    %get3A_36 = vector.shape_cast %get3A_35 : vector<1x128x1024xf32> to vector<128x1024xf32>
    %dot_general3A_37 = arith.constant dense<0.000000e+00> : vector<128x1024xf32>
    %dot_general3A_38 = tpu.matmul %add3A_20, %select_n3A, %dot_general3A_37 {dimension_numbers = #tpu.dot_dimension_numbers<[1], [0], [0], [1], [0, 0, 1, 1], [], []>, transpose_lhs_hint = false} : vector<128x1792xbf16>, vector<1792x1024xbf16>, vector<128x1024xf32> -> vector<128x1024xf32>
    %add3A_39 = arith.addf %get3A_36, %dot_general3A_38 : vector<128x1024xf32>
    %swap3A = arith.constant 0 : index
    %swap3A_40 = arith.constant 0 : index
    %swap3A_41 = arith.constant 0 : index
    %swap3A_42 = vector.load %arg6[%swap3A, %swap3A_40, %swap3A_41] : memref<8x128x1024xf32, #tpu.memory_space<vmem>>, vector<1x128x1024xf32>
    %swap3A_43 = vector.shape_cast %swap3A_42 : vector<1x128x1024xf32> to vector<128x1024xf32>
    %swap3A_44 = vector.shape_cast %add3A_39 : vector<128x1024xf32> to vector<1x128x1024xf32>
    tpu.vector_store %arg6[%swap3A, %swap3A_40, %swap3A_41], %swap3A_44 {strides = array<i32>} : memref<8x128x1024xf32, #tpu.memory_space<vmem>>, vector<1x128x1024xf32>,
    %get3A_45 = arith.constant 1 : index
    %get3A_46 = arith.constant 0 : index
    %get3A_47 = arith.constant 0 : index
    %get3A_48 = vector.load %arg1[%get3A_45, %get3A_46, %get3A_47] : memref<8x3x1792xf32, #tpu.memory_space<vmem>>, vector<1x3x1792xf32>
    %get3A_49 = vector.shape_cast %get3A_48 : vector<1x3x1792xf32> to vector<3x1792xf32>
    %get3A_50 = arith.constant 0 : index
    %get3A_51 = arith.constant 0 : index
    %get3A_52 = vector.load %arg4[%get3A_50, %get3A_51] : memref<3x128xf32, #tpu.memory_space<vmem>>, vector<3x128xf32>
    %dot_general3A_53 = arith.constant dense<0.000000e+00> : vector<128x1792xf32>
    %dot_general3A_54 = tpu.matmul %get3A_52, %get3A_49, %dot_general3A_53 {dimension_numbers = #tpu.dot_dimension_numbers<[0], [0], [1], [1], [0, 1, 1, 1], [], []>, transpose_lhs_hint = false} : vector<3x128xf32>, vector<3x1792xf32>, vector<128x1792xf32> -> vector<128x1792xf32>
    %get3A_55 = arith.constant 0 : index
    %get3A_56 = arith.constant 0 : index
    %get3A_57 = vector.load %arg5[%get3A_55, %get3A_56] : memref<128x1xf32, #tpu.memory_space<vmem>>, vector<128x1xf32>
    %add3A_58 = vector.broadcast %get3A_57 : vector<128x1xf32> to vector<128x1792xf32>
    %add3A_59 = arith.addf %dot_general3A_54, %add3A_58 : vector<128x1792xf32>
    %max3A_60 = arith.constant 0.000000e+00 : f32
    %max3A_61 = vector.broadcast %max3A_60 : f32 to vector<128x1792xf32>
    %max3A_62 = arith.maximumf %add3A_59, %max3A_61 : vector<128x1792xf32>
    %convert_element_type3A_63 = arith.truncf %max3A_62 : vector<128x1792xf32> to vector<128x1792xbf16>
    %add3A_64 = arith.addf %convert_element_type3A_63, %get3A_3 : vector<128x1792xbf16>
    %get3A_65 = arith.constant 1 : index
    %get3A_66 = arith.constant 0 : index
    %get3A_67 = arith.constant 0 : index
    %get3A_68 = vector.load %arg2[%get3A_65, %get3A_66, %get3A_67] : memref<8x1x1792xi32, #tpu.memory_space<vmem>>, vector<1x1x1792xi32>
    %get3A_69 = vector.shape_cast %get3A_68 : vector<1x1x1792xi32> to vector<1x1792xi32>
    %transpose3A_70 = tpu.transpose %get3A_69, [1, 0] : vector<1x1792xi32> -> vector<1792x1xi32>
    %convert_element_type3A_71 = arith.trunci %transpose3A_70 : vector<1792x1xi32> to vector<1792x1xi16>
    %broadcast_in_dim3A_72 = vector.shape_cast %convert_element_type3A_71 : vector<1792x1xi16> to vector<1792x1xi16>
    %broadcast_in_dim3A_73 = vector.broadcast %broadcast_in_dim3A_72 : vector<1792x1xi16> to vector<1792x1024xi16>
    %eq3A_74 = arith.cmpi eq, %broadcast_in_dim3A_73, %iota3A : vector<1792x1024xi16>
    %jit3A_75 = arith.constant 1.000000e+00 : bf16
    %jit3A_76 = arith.constant 0.000000e+00 : bf16
    %broadcast_in_dim3A_77 = vector.broadcast %jit3A_75 : bf16 to vector<1792x1024xbf16>
    %broadcast_in_dim3A_78 = vector.broadcast %jit3A_76 : bf16 to vector<1792x1024xbf16>
    %select_n3A_79 = arith.select %eq3A_74, %broadcast_in_dim3A_77, %broadcast_in_dim3A_78 : vector<1792x1024xi1>, vector<1792x1024xbf16>
    %get3A_80 = arith.constant 1 : index
    %get3A_81 = arith.constant 0 : index
    %get3A_82 = arith.constant 0 : index
    %get3A_83 = vector.load %arg6[%get3A_80, %get3A_81, %get3A_82] : memref<8x128x1024xf32, #tpu.memory_space<vmem>>, vector<1x128x1024xf32>
    %get3A_84 = vector.shape_cast %get3A_83 : vector<1x128x1024xf32> to vector<128x1024xf32>
    %dot_general3A_85 = arith.constant dense<0.000000e+00> : vector<128x1024xf32>
    %dot_general3A_86 = tpu.matmul %add3A_64, %select_n3A_79, %dot_general3A_85 {dimension_numbers = #tpu.dot_dimension_numbers<[1], [0], [0], [1], [0, 0, 1, 1], [], []>, transpose_lhs_hint = false} : vector<128x1792xbf16>, vector<1792x1024xbf16>, vector<128x1024xf32> -> vector<128x1024xf32>
    %add3A_87 = arith.addf %get3A_84, %dot_general3A_86 : vector<128x1024xf32>
    %swap3A_88 = arith.constant 1 : index
    %swap3A_89 = arith.constant 0 : index
    %swap3A_90 = arith.constant 0 : index
    %swap3A_91 = vector.load %arg6[%swap3A_88, %swap3A_89, %swap3A_90] : memref<8x128x1024xf32, #tpu.memory_space<vmem>>, vector<1x128x1024xf32>
    %swap3A_92 = vector.shape_cast %swap3A_91 : vector<1x128x1024xf32> to vector<128x1024xf32>
    %swap3A_93 = vector.shape_cast %add3A_87 : vector<128x1024xf32> to vector<1x128x1024xf32>
    tpu.vector_store %arg6[%swap3A_88, %swap3A_89, %swap3A_90], %swap3A_93 {strides = array<i32>} : memref<8x128x1024xf32, #tpu.memory_space<vmem>>, vector<1x128x1024xf32>,
    %get3A_94 = arith.constant 2 : index
    %get3A_95 = arith.constant 0 : index
    %get3A_96 = arith.constant 0 : index
    %get3A_97 = vector.load %arg1[%get3A_94, %get3A_95, %get3A_96] : memref<8x3x1792xf32, #tpu.memory_space<vmem>>, vector<1x3x1792xf32>
    %get3A_98 = vector.shape_cast %get3A_97 : vector<1x3x1792xf32> to vector<3x1792xf32>
    %get3A_99 = arith.constant 0 : index
    %get3A_100 = arith.constant 0 : index
    %get3A_101 = vector.load %arg4[%get3A_99, %get3A_100] : memref<3x128xf32, #tpu.memory_space<vmem>>, vector<3x128xf32>
    %dot_general3A_102 = arith.constant dense<0.000000e+00> : vector<128x1792xf32>
    %dot_general3A_103 = tpu.matmul %get3A_101, %get3A_98, %dot_general3A_102 {dimension_numbers = #tpu.dot_dimension_numbers<[0], [0], [1], [1], [0, 1, 1, 1], [], []>, transpose_lhs_hint = false} : vector<3x128xf32>, vector<3x1792xf32>, vector<128x1792xf32> -> vector<128x1792xf32>
    %get3A_104 = arith.constant 0 : index
    %get3A_105 = arith.constant 0 : index
    %get3A_106 = vector.load %arg5[%get3A_104, %get3A_105] : memref<128x1xf32, #tpu.memory_space<vmem>>, vector<128x1xf32>
    %add3A_107 = vector.broadcast %get3A_106 : vector<128x1xf32> to vector<128x1792xf32>
    %add3A_108 = arith.addf %dot_general3A_103, %add3A_107 : vector<128x1792xf32>
    %max3A_109 = arith.constant 0.000000e+00 : f32
    %max3A_110 = vector.broadcast %max3A_109 : f32 to vector<128x1792xf32>
    %max3A_111 = arith.maximumf %add3A_108, %max3A_110 : vector<128x1792xf32>
    %convert_element_type3A_112 = arith.truncf %max3A_111 : vector<128x1792xf32> to vector<128x1792xbf16>
    %add3A_113 = arith.addf %convert_element_type3A_112, %get3A_3 : vector<128x1792xbf16>
    %get3A_114 = arith.constant 2 : index
    %get3A_115 = arith.constant 0 : index
    %get3A_116 = arith.constant 0 : index
    %get3A_117 = vector.load %arg2[%get3A_114, %get3A_115, %get3A_116] : memref<8x1x1792xi32, #tpu.memory_space<vmem>>, vector<1x1x1792xi32>
    %get3A_118 = vector.shape_cast %get3A_117 : vector<1x1x1792xi32> to vector<1x1792xi32>
    %transpose3A_119 = tpu.transpose %get3A_118, [1, 0] : vector<1x1792xi32> -> vector<1792x1xi32>
    %convert_element_type3A_120 = arith.trunci %transpose3A_119 : vector<1792x1xi32> to vector<1792x1xi16>
    %broadcast_in_dim3A_121 = vector.shape_cast %convert_element_type3A_120 : vector<1792x1xi16> to vector<1792x1xi16>
    %broadcast_in_dim3A_122 = vector.broadcast %broadcast_in_dim3A_121 : vector<1792x1xi16> to vector<1792x1024xi16>
    %eq3A_123 = arith.cmpi eq, %broadcast_in_dim3A_122, %iota3A : vector<1792x1024xi16>
    %jit3A_124 = arith.constant 1.000000e+00 : bf16
    %jit3A_125 = arith.constant 0.000000e+00 : bf16
    %broadcast_in_dim3A_126 = vector.broadcast %jit3A_124 : bf16 to vector<1792x1024xbf16>
    %broadcast_in_dim3A_127 = vector.broadcast %jit3A_125 : bf16 to vector<1792x1024xbf16>
    %select_n3A_128 = arith.select %eq3A_123, %broadcast_in_dim3A_126, %broadcast_in_dim3A_127 : vector<1792x1024xi1>, vector<1792x1024xbf16>
    %get3A_129 = arith.constant 2 : index
    %get3A_130 = arith.constant 0 : index
    %get3A_131 = arith.constant 0 : index
    %get3A_132 = vector.load %arg6[%get3A_129, %get3A_130, %get3A_131] : memref<8x128x1024xf32, #tpu.memory_space<vmem>>, vector<1x128x1024xf32>
    %get3A_133 = vector.shape_cast %get3A_132 : vector<1x128x1024xf32> to vector<128x1024xf32>
    %dot_general3A_134 = arith.constant dense<0.000000e+00> : vector<128x1024xf32>
    %dot_general3A_135 = tpu.matmul %add3A_113, %select_n3A_128, %dot_general3A_134 {dimension_numbers = #tpu.dot_dimension_numbers<[1], [0], [0], [1], [0, 0, 1, 1], [], []>, transpose_lhs_hint = false} : vector<128x1792xbf16>, vector<1792x1024xbf16>, vector<128x1024xf32> -> vector<128x1024xf32>
    %add3A_136 = arith.addf %get3A_133, %dot_general3A_135 : vector<128x1024xf32>
    %swap3A_137 = arith.constant 2 : index
    %swap3A_138 = arith.constant 0 : index
    %swap3A_139 = arith.constant 0 : index
    %swap3A_140 = vector.load %arg6[%swap3A_137, %swap3A_138, %swap3A_139] : memref<8x128x1024xf32, #tpu.memory_space<vmem>>, vector<1x128x1024xf32>
    %swap3A_141 = vector.shape_cast %swap3A_140 : vector<1x128x1024xf32> to vector<128x1024xf32>
    %swap3A_142 = vector.shape_cast %add3A_136 : vector<128x1024xf32> to vector<1x128x1024xf32>
    tpu.vector_store %arg6[%swap3A_137, %swap3A_138, %swap3A_139], %swap3A_142 {strides = array<i32>} : memref<8x128x1024xf32, #tpu.memory_space<vmem>>, vector<1x128x1024xf32>,
    %get3A_143 = arith.constant 3 : index
    %get3A_144 = arith.constant 0 : index
    %get3A_145 = arith.constant 0 : index
    %get3A_146 = vector.load %arg1[%get3A_143, %get3A_144, %get3A_145] : memref<8x3x1792xf32, #tpu.memory_space<vmem>>, vector<1x3x1792xf32>
    %get3A_147 = vector.shape_cast %get3A_146 : vector<1x3x1792xf32> to vector<3x1792xf32>
    %get3A_148 = arith.constant 0 : index
    %get3A_149 = arith.constant 0 : index
    %get3A_150 = vector.load %arg4[%get3A_148, %get3A_149] : memref<3x128xf32, #tpu.memory_space<vmem>>, vector<3x128xf32>
    %dot_general3A_151 = arith.constant dense<0.000000e+00> : vector<128x1792xf32>
    %dot_general3A_152 = tpu.matmul %get3A_150, %get3A_147, %dot_general3A_151 {dimension_numbers = #tpu.dot_dimension_numbers<[0], [0], [1], [1], [0, 1, 1, 1], [], []>, transpose_lhs_hint = false} : vector<3x128xf32>, vector<3x1792xf32>, vector<128x1792xf32> -> vector<128x1792xf32>
    %get3A_153 = arith.constant 0 : index
    %get3A_154 = arith.constant 0 : index
    %get3A_155 = vector.load %arg5[%get3A_153, %get3A_154] : memref<128x1xf32, #tpu.memory_space<vmem>>, vector<128x1xf32>
    %add3A_156 = vector.broadcast %get3A_155 : vector<128x1xf32> to vector<128x1792xf32>
    %add3A_157 = arith.addf %dot_general3A_152, %add3A_156 : vector<128x1792xf32>
    %max3A_158 = arith.constant 0.000000e+00 : f32
    %max3A_159 = vector.broadcast %max3A_158 : f32 to vector<128x1792xf32>
    %max3A_160 = arith.maximumf %add3A_157, %max3A_159 : vector<128x1792xf32>
    %convert_element_type3A_161 = arith.truncf %max3A_160 : vector<128x1792xf32> to vector<128x1792xbf16>
    %add3A_162 = arith.addf %convert_element_type3A_161, %get3A_3 : vector<128x1792xbf16>
    %get3A_163 = arith.constant 3 : index
    %get3A_164 = arith.constant 0 : index
    %get3A_165 = arith.constant 0 : index
    %get3A_166 = vector.load %arg2[%get3A_163, %get3A_164, %get3A_165] : memref<8x1x1792xi32, #tpu.memory_space<vmem>>, vector<1x1x1792xi32>
    %get3A_167 = vector.shape_cast %get3A_166 : vector<1x1x1792xi32> to vector<1x1792xi32>
    %transpose3A_168 = tpu.transpose %get3A_167, [1, 0] : vector<1x1792xi32> -> vector<1792x1xi32>
    %convert_element_type3A_169 = arith.trunci %transpose3A_168 : vector<1792x1xi32> to vector<1792x1xi16>
    %broadcast_in_dim3A_170 = vector.shape_cast %convert_element_type3A_169 : vector<1792x1xi16> to vector<1792x1xi16>
    %broadcast_in_dim3A_171 = vector.broadcast %broadcast_in_dim3A_170 : vector<1792x1xi16> to vector<1792x1024xi16>
    %eq3A_172 = arith.cmpi eq, %broadcast_in_dim3A_171, %iota3A : vector<1792x1024xi16>
    %jit3A_173 = arith.constant 1.000000e+00 : bf16
    %jit3A_174 = arith.constant 0.000000e+00 : bf16
    %broadcast_in_dim3A_175 = vector.broadcast %jit3A_173 : bf16 to vector<1792x1024xbf16>
    %broadcast_in_dim3A_176 = vector.broadcast %jit3A_174 : bf16 to vector<1792x1024xbf16>
    %select_n3A_177 = arith.select %eq3A_172, %broadcast_in_dim3A_175, %broadcast_in_dim3A_176 : vector<1792x1024xi1>, vector<1792x1024xbf16>
    %get3A_178 = arith.constant 3 : index
    %get3A_179 = arith.constant 0 : index
    %get3A_180 = arith.constant 0 : index
    %get3A_181 = vector.load %arg6[%get3A_178, %get3A_179, %get3A_180] : memref<8x128x1024xf32, #tpu.memory_space<vmem>>, vector<1x128x1024xf32>
    %get3A_182 = vector.shape_cast %get3A_181 : vector<1x128x1024xf32> to vector<128x1024xf32>
    %dot_general3A_183 = arith.constant dense<0.000000e+00> : vector<128x1024xf32>
    %dot_general3A_184 = tpu.matmul %add3A_162, %select_n3A_177, %dot_general3A_183 {dimension_numbers = #tpu.dot_dimension_numbers<[1], [0], [0], [1], [0, 0, 1, 1], [], []>, transpose_lhs_hint = false} : vector<128x1792xbf16>, vector<1792x1024xbf16>, vector<128x1024xf32> -> vector<128x1024xf32>
    %add3A_185 = arith.addf %get3A_182, %dot_general3A_184 : vector<128x1024xf32>
    %swap3A_186 = arith.constant 3 : index
    %swap3A_187 = arith.constant 0 : index
    %swap3A_188 = arith.constant 0 : index
    %swap3A_189 = vector.load %arg6[%swap3A_186, %swap3A_187, %swap3A_188] : memref<8x128x1024xf32, #tpu.memory_space<vmem>>, vector<1x128x1024xf32>
    %swap3A_190 = vector.shape_cast %swap3A_189 : vector<1x128x1024xf32> to vector<128x1024xf32>
    %swap3A_191 = vector.shape_cast %add3A_185 : vector<128x1024xf32> to vector<1x128x1024xf32>
    tpu.vector_store %arg6[%swap3A_186, %swap3A_187, %swap3A_188], %swap3A_191 {strides = array<i32>} : memref<8x128x1024xf32, #tpu.memory_space<vmem>>, vector<1x128x1024xf32>,
    %get3A_192 = arith.constant 4 : index
    %get3A_193 = arith.constant 0 : index
    %get3A_194 = arith.constant 0 : index
    %get3A_195 = vector.load %arg1[%get3A_192, %get3A_193, %get3A_194] : memref<8x3x1792xf32, #tpu.memory_space<vmem>>, vector<1x3x1792xf32>
    %get3A_196 = vector.shape_cast %get3A_195 : vector<1x3x1792xf32> to vector<3x1792xf32>
    %get3A_197 = arith.constant 0 : index
    %get3A_198 = arith.constant 0 : index
    %get3A_199 = vector.load %arg4[%get3A_197, %get3A_198] : memref<3x128xf32, #tpu.memory_space<vmem>>, vector<3x128xf32>
    %dot_general3A_200 = arith.constant dense<0.000000e+00> : vector<128x1792xf32>
    %dot_general3A_201 = tpu.matmul %get3A_199, %get3A_196, %dot_general3A_200 {dimension_numbers = #tpu.dot_dimension_numbers<[0], [0], [1], [1], [0, 1, 1, 1], [], []>, transpose_lhs_hint = false} : vector<3x128xf32>, vector<3x1792xf32>, vector<128x1792xf32> -> vector<128x1792xf32>
    %get3A_202 = arith.constant 0 : index
    %get3A_203 = arith.constant 0 : index
    %get3A_204 = vector.load %arg5[%get3A_202, %get3A_203] : memref<128x1xf32, #tpu.memory_space<vmem>>, vector<128x1xf32>
    %add3A_205 = vector.broadcast %get3A_204 : vector<128x1xf32> to vector<128x1792xf32>
    %add3A_206 = arith.addf %dot_general3A_201, %add3A_205 : vector<128x1792xf32>
    %max3A_207 = arith.constant 0.000000e+00 : f32
    %max3A_208 = vector.broadcast %max3A_207 : f32 to vector<128x1792xf32>
    %max3A_209 = arith.maximumf %add3A_206, %max3A_208 : vector<128x1792xf32>
    %convert_element_type3A_210 = arith.truncf %max3A_209 : vector<128x1792xf32> to vector<128x1792xbf16>
    %add3A_211 = arith.addf %convert_element_type3A_210, %get3A_3 : vector<128x1792xbf16>
    %get3A_212 = arith.constant 4 : index
    %get3A_213 = arith.constant 0 : index
    %get3A_214 = arith.constant 0 : index
    %get3A_215 = vector.load %arg2[%get3A_212, %get3A_213, %get3A_214] : memref<8x1x1792xi32, #tpu.memory_space<vmem>>, vector<1x1x1792xi32>
    %get3A_216 = vector.shape_cast %get3A_215 : vector<1x1x1792xi32> to vector<1x1792xi32>
    %transpose3A_217 = tpu.transpose %get3A_216, [1, 0] : vector<1x1792xi32> -> vector<1792x1xi32>
    %convert_element_type3A_218 = arith.trunci %transpose3A_217 : vector<1792x1xi32> to vector<1792x1xi16>
    %broadcast_in_dim3A_219 = vector.shape_cast %convert_element_type3A_218 : vector<1792x1xi16> to vector<1792x1xi16>
    %broadcast_in_dim3A_220 = vector.broadcast %broadcast_in_dim3A_219 : vector<1792x1xi16> to vector<1792x1024xi16>
    %eq3A_221 = arith.cmpi eq, %broadcast_in_dim3A_220, %iota3A : vector<1792x1024xi16>
    %jit3A_222 = arith.constant 1.000000e+00 : bf16
    %jit3A_223 = arith.constant 0.000000e+00 : bf16
    %broadcast_in_dim3A_224 = vector.broadcast %jit3A_222 : bf16 to vector<1792x1024xbf16>
    %broadcast_in_dim3A_225 = vector.broadcast %jit3A_223 : bf16 to vector<1792x1024xbf16>
    %select_n3A_226 = arith.select %eq3A_221, %broadcast_in_dim3A_224, %broadcast_in_dim3A_225 : vector<1792x1024xi1>, vector<1792x1024xbf16>
    %get3A_227 = arith.constant 4 : index
    %get3A_228 = arith.constant 0 : index
    %get3A_229 = arith.constant 0 : index
    %get3A_230 = vector.load %arg6[%get3A_227, %get3A_228, %get3A_229] : memref<8x128x1024xf32, #tpu.memory_space<vmem>>, vector<1x128x1024xf32>
    %get3A_231 = vector.shape_cast %get3A_230 : vector<1x128x1024xf32> to vector<128x1024xf32>
    %dot_general3A_232 = arith.constant dense<0.000000e+00> : vector<128x1024xf32>
    %dot_general3A_233 = tpu.matmul %add3A_211, %select_n3A_226, %dot_general3A_232 {dimension_numbers = #tpu.dot_dimension_numbers<[1], [0], [0], [1], [0, 0, 1, 1], [], []>, transpose_lhs_hint = false} : vector<128x1792xbf16>, vector<1792x1024xbf16>, vector<128x1024xf32> -> vector<128x1024xf32>
    %add3A_234 = arith.addf %get3A_231, %dot_general3A_233 : vector<128x1024xf32>
    %swap3A_235 = arith.constant 4 : index
    %swap3A_236 = arith.constant 0 : index
    %swap3A_237 = arith.constant 0 : index
    %swap3A_238 = vector.load %arg6[%swap3A_235, %swap3A_236, %swap3A_237] : memref<8x128x1024xf32, #tpu.memory_space<vmem>>, vector<1x128x1024xf32>
    %swap3A_239 = vector.shape_cast %swap3A_238 : vector<1x128x1024xf32> to vector<128x1024xf32>
    %swap3A_240 = vector.shape_cast %add3A_234 : vector<128x1024xf32> to vector<1x128x1024xf32>
    tpu.vector_store %arg6[%swap3A_235, %swap3A_236, %swap3A_237], %swap3A_240 {strides = array<i32>} : memref<8x128x1024xf32, #tpu.memory_space<vmem>>, vector<1x128x1024xf32>,
    %get3A_241 = arith.constant 5 : index
    %get3A_242 = arith.constant 0 : index
    %get3A_243 = arith.constant 0 : index
    %get3A_244 = vector.load %arg1[%get3A_241, %get3A_242, %get3A_243] : memref<8x3x1792xf32, #tpu.memory_space<vmem>>, vector<1x3x1792xf32>
    %get3A_245 = vector.shape_cast %get3A_244 : vector<1x3x1792xf32> to vector<3x1792xf32>
    %get3A_246 = arith.constant 0 : index
    %get3A_247 = arith.constant 0 : index
    %get3A_248 = vector.load %arg4[%get3A_246, %get3A_247] : memref<3x128xf32, #tpu.memory_space<vmem>>, vector<3x128xf32>
    %dot_general3A_249 = arith.constant dense<0.000000e+00> : vector<128x1792xf32>
    %dot_general3A_250 = tpu.matmul %get3A_248, %get3A_245, %dot_general3A_249 {dimension_numbers = #tpu.dot_dimension_numbers<[0], [0], [1], [1], [0, 1, 1, 1], [], []>, transpose_lhs_hint = false} : vector<3x128xf32>, vector<3x1792xf32>, vector<128x1792xf32> -> vector<128x1792xf32>
    %get3A_251 = arith.constant 0 : index
    %get3A_252 = arith.constant 0 : index
    %get3A_253 = vector.load %arg5[%get3A_251, %get3A_252] : memref<128x1xf32, #tpu.memory_space<vmem>>, vector<128x1xf32>
    %add3A_254 = vector.broadcast %get3A_253 : vector<128x1xf32> to vector<128x1792xf32>
    %add3A_255 = arith.addf %dot_general3A_250, %add3A_254 : vector<128x1792xf32>
    %max3A_256 = arith.constant 0.000000e+00 : f32
    %max3A_257 = vector.broadcast %max3A_256 : f32 to vector<128x1792xf32>
    %max3A_258 = arith.maximumf %add3A_255, %max3A_257 : vector<128x1792xf32>
    %convert_element_type3A_259 = arith.truncf %max3A_258 : vector<128x1792xf32> to vector<128x1792xbf16>
    %add3A_260 = arith.addf %convert_element_type3A_259, %get3A_3 : vector<128x1792xbf16>
    %get3A_261 = arith.constant 5 : index
    %get3A_262 = arith.constant 0 : index
    %get3A_263 = arith.constant 0 : index
    %get3A_264 = vector.load %arg2[%get3A_261, %get3A_262, %get3A_263] : memref<8x1x1792xi32, #tpu.memory_space<vmem>>, vector<1x1x1792xi32>
    %get3A_265 = vector.shape_cast %get3A_264 : vector<1x1x1792xi32> to vector<1x1792xi32>
    %transpose3A_266 = tpu.transpose %get3A_265, [1, 0] : vector<1x1792xi32> -> vector<1792x1xi32>
    %convert_element_type3A_267 = arith.trunci %transpose3A_266 : vector<1792x1xi32> to vector<1792x1xi16>
    %broadcast_in_dim3A_268 = vector.shape_cast %convert_element_type3A_267 : vector<1792x1xi16> to vector<1792x1xi16>
    %broadcast_in_dim3A_269 = vector.broadcast %broadcast_in_dim3A_268 : vector<1792x1xi16> to vector<1792x1024xi16>
    %eq3A_270 = arith.cmpi eq, %broadcast_in_dim3A_269, %iota3A : vector<1792x1024xi16>
    %jit3A_271 = arith.constant 1.000000e+00 : bf16
    %jit3A_272 = arith.constant 0.000000e+00 : bf16
    %broadcast_in_dim3A_273 = vector.broadcast %jit3A_271 : bf16 to vector<1792x1024xbf16>
    %broadcast_in_dim3A_274 = vector.broadcast %jit3A_272 : bf16 to vector<1792x1024xbf16>
    %select_n3A_275 = arith.select %eq3A_270, %broadcast_in_dim3A_273, %broadcast_in_dim3A_274 : vector<1792x1024xi1>, vector<1792x1024xbf16>
    %get3A_276 = arith.constant 5 : index
    %get3A_277 = arith.constant 0 : index
    %get3A_278 = arith.constant 0 : index
    %get3A_279 = vector.load %arg6[%get3A_276, %get3A_277, %get3A_278] : memref<8x128x1024xf32, #tpu.memory_space<vmem>>, vector<1x128x1024xf32>
    %get3A_280 = vector.shape_cast %get3A_279 : vector<1x128x1024xf32> to vector<128x1024xf32>
    %dot_general3A_281 = arith.constant dense<0.000000e+00> : vector<128x1024xf32>
    %dot_general3A_282 = tpu.matmul %add3A_260, %select_n3A_275, %dot_general3A_281 {dimension_numbers = #tpu.dot_dimension_numbers<[1], [0], [0], [1], [0, 0, 1, 1], [], []>, transpose_lhs_hint = false} : vector<128x1792xbf16>, vector<1792x1024xbf16>, vector<128x1024xf32> -> vector<128x1024xf32>
    %add3A_283 = arith.addf %get3A_280, %dot_general3A_282 : vector<128x1024xf32>
    %swap3A_284 = arith.constant 5 : index
    %swap3A_285 = arith.constant 0 : index
    %swap3A_286 = arith.constant 0 : index
    %swap3A_287 = vector.load %arg6[%swap3A_284, %swap3A_285, %swap3A_286] : memref<8x128x1024xf32, #tpu.memory_space<vmem>>, vector<1x128x1024xf32>
    %swap3A_288 = vector.shape_cast %swap3A_287 : vector<1x128x1024xf32> to vector<128x1024xf32>
    %swap3A_289 = vector.shape_cast %add3A_283 : vector<128x1024xf32> to vector<1x128x1024xf32>
    tpu.vector_store %arg6[%swap3A_284, %swap3A_285, %swap3A_286], %swap3A_289 {strides = array<i32>} : memref<8x128x1024xf32, #tpu.memory_space<vmem>>, vector<1x128x1024xf32>,
    %get3A_290 = arith.constant 6 : index
    %get3A_291 = arith.constant 0 : index
    %get3A_292 = arith.constant 0 : index
    %get3A_293 = vector.load %arg1[%get3A_290, %get3A_291, %get3A_292] : memref<8x3x1792xf32, #tpu.memory_space<vmem>>, vector<1x3x1792xf32>
    %get3A_294 = vector.shape_cast %get3A_293 : vector<1x3x1792xf32> to vector<3x1792xf32>
    %get3A_295 = arith.constant 0 : index
    %get3A_296 = arith.constant 0 : index
    %get3A_297 = vector.load %arg4[%get3A_295, %get3A_296] : memref<3x128xf32, #tpu.memory_space<vmem>>, vector<3x128xf32>
    %dot_general3A_298 = arith.constant dense<0.000000e+00> : vector<128x1792xf32>
    %dot_general3A_299 = tpu.matmul %get3A_297, %get3A_294, %dot_general3A_298 {dimension_numbers = #tpu.dot_dimension_numbers<[0], [0], [1], [1], [0, 1, 1, 1], [], []>, transpose_lhs_hint = false} : vector<3x128xf32>, vector<3x1792xf32>, vector<128x1792xf32> -> vector<128x1792xf32>
    %get3A_300 = arith.constant 0 : index
    %get3A_301 = arith.constant 0 : index
    %get3A_302 = vector.load %arg5[%get3A_300, %get3A_301] : memref<128x1xf32, #tpu.memory_space<vmem>>, vector<128x1xf32>
    %add3A_303 = vector.broadcast %get3A_302 : vector<128x1xf32> to vector<128x1792xf32>
    %add3A_304 = arith.addf %dot_general3A_299, %add3A_303 : vector<128x1792xf32>
    %max3A_305 = arith.constant 0.000000e+00 : f32
    %max3A_306 = vector.broadcast %max3A_305 : f32 to vector<128x1792xf32>
    %max3A_307 = arith.maximumf %add3A_304, %max3A_306 : vector<128x1792xf32>
    %convert_element_type3A_308 = arith.truncf %max3A_307 : vector<128x1792xf32> to vector<128x1792xbf16>
    %add3A_309 = arith.addf %convert_element_type3A_308, %get3A_3 : vector<128x1792xbf16>
    %get3A_310 = arith.constant 6 : index
    %get3A_311 = arith.constant 0 : index
    %get3A_312 = arith.constant 0 : index
    %get3A_313 = vector.load %arg2[%get3A_310, %get3A_311, %get3A_312] : memref<8x1x1792xi32, #tpu.memory_space<vmem>>, vector<1x1x1792xi32>
    %get3A_314 = vector.shape_cast %get3A_313 : vector<1x1x1792xi32> to vector<1x1792xi32>
    %transpose3A_315 = tpu.transpose %get3A_314, [1, 0] : vector<1x1792xi32> -> vector<1792x1xi32>
    %convert_element_type3A_316 = arith.trunci %transpose3A_315 : vector<1792x1xi32> to vector<1792x1xi16>
    %broadcast_in_dim3A_317 = vector.shape_cast %convert_element_type3A_316 : vector<1792x1xi16> to vector<1792x1xi16>
    %broadcast_in_dim3A_318 = vector.broadcast %broadcast_in_dim3A_317 : vector<1792x1xi16> to vector<1792x1024xi16>
    %eq3A_319 = arith.cmpi eq, %broadcast_in_dim3A_318, %iota3A : vector<1792x1024xi16>
    %jit3A_320 = arith.constant 1.000000e+00 : bf16
    %jit3A_321 = arith.constant 0.000000e+00 : bf16
    %broadcast_in_dim3A_322 = vector.broadcast %jit3A_320 : bf16 to vector<1792x1024xbf16>
    %broadcast_in_dim3A_323 = vector.broadcast %jit3A_321 : bf16 to vector<1792x1024xbf16>
    %select_n3A_324 = arith.select %eq3A_319, %broadcast_in_dim3A_322, %broadcast_in_dim3A_323 : vector<1792x1024xi1>, vector<1792x1024xbf16>
    %get3A_325 = arith.constant 6 : index
    %get3A_326 = arith.constant 0 : index
    %get3A_327 = arith.constant 0 : index
    %get3A_328 = vector.load %arg6[%get3A_325, %get3A_326, %get3A_327] : memref<8x128x1024xf32, #tpu.memory_space<vmem>>, vector<1x128x1024xf32>
    %get3A_329 = vector.shape_cast %get3A_328 : vector<1x128x1024xf32> to vector<128x1024xf32>
    %dot_general3A_330 = arith.constant dense<0.000000e+00> : vector<128x1024xf32>
    %dot_general3A_331 = tpu.matmul %add3A_309, %select_n3A_324, %dot_general3A_330 {dimension_numbers = #tpu.dot_dimension_numbers<[1], [0], [0], [1], [0, 0, 1, 1], [], []>, transpose_lhs_hint = false} : vector<128x1792xbf16>, vector<1792x1024xbf16>, vector<128x1024xf32> -> vector<128x1024xf32>
    %add3A_332 = arith.addf %get3A_329, %dot_general3A_331 : vector<128x1024xf32>
    %swap3A_333 = arith.constant 6 : index
    %swap3A_334 = arith.constant 0 : index
    %swap3A_335 = arith.constant 0 : index
    %swap3A_336 = vector.load %arg6[%swap3A_333, %swap3A_334, %swap3A_335] : memref<8x128x1024xf32, #tpu.memory_space<vmem>>, vector<1x128x1024xf32>
    %swap3A_337 = vector.shape_cast %swap3A_336 : vector<1x128x1024xf32> to vector<128x1024xf32>
    %swap3A_338 = vector.shape_cast %add3A_332 : vector<128x1024xf32> to vector<1x128x1024xf32>
    tpu.vector_store %arg6[%swap3A_333, %swap3A_334, %swap3A_335], %swap3A_338 {strides = array<i32>} : memref<8x128x1024xf32, #tpu.memory_space<vmem>>, vector<1x128x1024xf32>,
    %get3A_339 = arith.constant 7 : index
    %get3A_340 = arith.constant 0 : index
    %get3A_341 = arith.constant 0 : index
    %get3A_342 = vector.load %arg1[%get3A_339, %get3A_340, %get3A_341] : memref<8x3x1792xf32, #tpu.memory_space<vmem>>, vector<1x3x1792xf32>
    %get3A_343 = vector.shape_cast %get3A_342 : vector<1x3x1792xf32> to vector<3x1792xf32>
    %get3A_344 = arith.constant 0 : index
    %get3A_345 = arith.constant 0 : index
    %get3A_346 = vector.load %arg4[%get3A_344, %get3A_345] : memref<3x128xf32, #tpu.memory_space<vmem>>, vector<3x128xf32>
    %dot_general3A_347 = arith.constant dense<0.000000e+00> : vector<128x1792xf32>
    %dot_general3A_348 = tpu.matmul %get3A_346, %get3A_343, %dot_general3A_347 {dimension_numbers = #tpu.dot_dimension_numbers<[0], [0], [1], [1], [0, 1, 1, 1], [], []>, transpose_lhs_hint = false} : vector<3x128xf32>, vector<3x1792xf32>, vector<128x1792xf32> -> vector<128x1792xf32>
    %get3A_349 = arith.constant 0 : index
    %get3A_350 = arith.constant 0 : index
    %get3A_351 = vector.load %arg5[%get3A_349, %get3A_350] : memref<128x1xf32, #tpu.memory_space<vmem>>, vector<128x1xf32>
    %add3A_352 = vector.broadcast %get3A_351 : vector<128x1xf32> to vector<128x1792xf32>
    %add3A_353 = arith.addf %dot_general3A_348, %add3A_352 : vector<128x1792xf32>
    %max3A_354 = arith.constant 0.000000e+00 : f32
    %max3A_355 = vector.broadcast %max3A_354 : f32 to vector<128x1792xf32>
    %max3A_356 = arith.maximumf %add3A_353, %max3A_355 : vector<128x1792xf32>
    %convert_element_type3A_357 = arith.truncf %max3A_356 : vector<128x1792xf32> to vector<128x1792xbf16>
    %add3A_358 = arith.addf %convert_element_type3A_357, %get3A_3 : vector<128x1792xbf16>
    %get3A_359 = arith.constant 7 : index
    %get3A_360 = arith.constant 0 : index
    %get3A_361 = arith.constant 0 : index
    %get3A_362 = vector.load %arg2[%get3A_359, %get3A_360, %get3A_361] : memref<8x1x1792xi32, #tpu.memory_space<vmem>>, vector<1x1x1792xi32>
    %get3A_363 = vector.shape_cast %get3A_362 : vector<1x1x1792xi32> to vector<1x1792xi32>
    %transpose3A_364 = tpu.transpose %get3A_363, [1, 0] : vector<1x1792xi32> -> vector<1792x1xi32>
    %convert_element_type3A_365 = arith.trunci %transpose3A_364 : vector<1792x1xi32> to vector<1792x1xi16>
    %broadcast_in_dim3A_366 = vector.shape_cast %convert_element_type3A_365 : vector<1792x1xi16> to vector<1792x1xi16>
    %broadcast_in_dim3A_367 = vector.broadcast %broadcast_in_dim3A_366 : vector<1792x1xi16> to vector<1792x1024xi16>
    %eq3A_368 = arith.cmpi eq, %broadcast_in_dim3A_367, %iota3A : vector<1792x1024xi16>
    %jit3A_369 = arith.constant 1.000000e+00 : bf16
    %jit3A_370 = arith.constant 0.000000e+00 : bf16
    %broadcast_in_dim3A_371 = vector.broadcast %jit3A_369 : bf16 to vector<1792x1024xbf16>
    %broadcast_in_dim3A_372 = vector.broadcast %jit3A_370 : bf16 to vector<1792x1024xbf16>
    %select_n3A_373 = arith.select %eq3A_368, %broadcast_in_dim3A_371, %broadcast_in_dim3A_372 : vector<1792x1024xi1>, vector<1792x1024xbf16>
    %get3A_374 = arith.constant 7 : index
    %get3A_375 = arith.constant 0 : index
    %get3A_376 = arith.constant 0 : index
    %get3A_377 = vector.load %arg6[%get3A_374, %get3A_375, %get3A_376] : memref<8x128x1024xf32, #tpu.memory_space<vmem>>, vector<1x128x1024xf32>
    %get3A_378 = vector.shape_cast %get3A_377 : vector<1x128x1024xf32> to vector<128x1024xf32>
    %dot_general3A_379 = arith.constant dense<0.000000e+00> : vector<128x1024xf32>
    %dot_general3A_380 = tpu.matmul %add3A_358, %select_n3A_373, %dot_general3A_379 {dimension_numbers = #tpu.dot_dimension_numbers<[1], [0], [0], [1], [0, 0, 1, 1], [], []>, transpose_lhs_hint = false} : vector<128x1792xbf16>, vector<1792x1024xbf16>, vector<128x1024xf32> -> vector<128x1024xf32>
    %add3A_381 = arith.addf %get3A_378, %dot_general3A_380 : vector<128x1024xf32>
    %swap3A_382 = arith.constant 7 : index
    %swap3A_383 = arith.constant 0 : index
    %swap3A_384 = arith.constant 0 : index
    %swap3A_385 = vector.load %arg6[%swap3A_382, %swap3A_383, %swap3A_384] : memref<8x128x1024xf32, #tpu.memory_space<vmem>>, vector<1x128x1024xf32>
    %swap3A_386 = vector.shape_cast %swap3A_385 : vector<1x128x1024xf32> to vector<128x1024xf32>
    %swap3A_387 = vector.shape_cast %add3A_381 : vector<128x1024xf32> to vector<1x128x1024xf32>
    tpu.vector_store %arg6[%swap3A_382, %swap3A_383, %swap3A_384], %swap3A_387 {strides = array<i32>} : memref<8x128x1024xf32, #tpu.memory_space<vmem>>, vector<1x128x1024xf32>,
    return
  }
  func.func @transform_0(%arg0: i32) -> (i32, i32, i32) {
    %c0_i32 = arith.constant 0 : i32
    %c0_i32_0 = arith.constant 0 : i32
    %c0_i32_1 = arith.constant 0 : i32
    return %c0_i32, %c0_i32_0, %arg0 : i32, i32, i32
  }
  func.func @transform_1(%arg0: i32) -> (i32, i32, i32) {
    %c0_i32 = arith.constant 0 : i32
    %c0_i32_0 = arith.constant 0 : i32
    %c0_i32_1 = arith.constant 0 : i32
    return %c0_i32, %c0_i32_0, %arg0 : i32, i32, i32
  }
  func.func @transform_2(%arg0: i32) -> (i32, i32) {
    %c0_i32 = arith.constant 0 : i32
    %c0_i32_0 = arith.constant 0 : i32
    return %c0_i32, %arg0 : i32, i32
  }
  func.func @transform_3(%arg0: i32) -> (i32, i32) {
    %c0_i32 = arith.constant 0 : i32
    %c0_i32_0 = arith.constant 0 : i32
    %c0_i32_1 = arith.constant 0 : i32
    return %c0_i32, %c0_i32_0 : i32, i32
  }
  func.func @transform_4(%arg0: i32) -> (i32, i32) {
    %c0_i32 = arith.constant 0 : i32
    %c0_i32_0 = arith.constant 0 : i32
    %c0_i32_1 = arith.constant 0 : i32
    return %c0_i32, %c0_i32_0 : i32, i32
  }
  func.func @transform_5(%arg0: i32) -> (i32, i32, i32) {
    %c0_i32 = arith.constant 0 : i32
    %c0_i32_0 = arith.constant 0 : i32
    %c0_i32_1 = arith.constant 0 : i32
    %c0_i32_2 = arith.constant 0 : i32
    return %c0_i32, %c0_i32_0, %c0_i32_1 : i32, i32, i32
  }
}

module attributes {stable_mosaic.version = 14 : i64} {
  func.func @_proj_body(%arg0: i32, %arg1: memref<1x128x1024xf32, #tpu.memory_space<vmem>>, %arg2: memref<1x1x1024xi32, #tpu.memory_space<vmem>>, %arg3: memref<1x1x1024xi32, #tpu.memory_space<vmem>>, %arg4: memref<768x128xf32, #tpu.memory_space<vmem>>, %arg5: memref<1x768xf32, #tpu.memory_space<vmem>>, %arg6: memref<1x1024x768xf32, #tpu.memory_space<vmem>>) attributes {dimension_semantics = [#tpu.dimension_semantics<arbitrary>], iteration_bounds = array<i64: 8>, scalar_prefetch = 0 : i64, scratch_operands = 0 : i64, tpu.core_type = #tpu.core_type<tc>, window_params = [{transform_indices = @transform_0, window_bounds = array<i64: 1, 128, 1024>}, {transform_indices = @transform_1, window_bounds = array<i64: 1, 1, 1024>}, {transform_indices = @transform_2, window_bounds = array<i64: 1, 1, 1024>}, {pipeline_mode = #tpu.pipeline_mode<synchronous>, transform_indices = @transform_3, window_bounds = array<i64: 768, 128>}, {pipeline_mode = #tpu.pipeline_mode<synchronous>, transform_indices = @transform_4, window_bounds = array<i64: 1, 768>}, {transform_indices = @transform_5, window_bounds = array<i64: 1, 1024, 768>}]} {
    %get3A = arith.constant 0 : index
    %get3A_0 = arith.constant 0 : index
    %get3A_1 = arith.constant 0 : index
    %get3A_2 = vector.load %arg2[%get3A, %get3A_0, %get3A_1] : memref<1x1x1024xi32, #tpu.memory_space<vmem>>, vector<1x1x1024xi32>
    %get3A_3 = vector.shape_cast %get3A_2 : vector<1x1x1024xi32> to vector<1024xi32>
    %convert_element_type3A = arith.sitofp %get3A_3 : vector<1024xi32> to vector<1024xf32>
    %max3A = arith.constant 1.000000e+00 : f32
    %max3A_4 = vector.broadcast %max3A : f32 to vector<1024xf32>
    %max3A_5 = arith.maximumf %convert_element_type3A, %max3A_4 : vector<1024xf32>
    %div3A = arith.constant 1.000000e+00 : f32
    %div3A_6 = vector.broadcast %div3A : f32 to vector<1024xf32>
    %div3A_7 = arith.divf %div3A_6, %max3A_5 : vector<1024xf32>
    %get3A_8 = arith.constant 0 : index
    %get3A_9 = arith.constant 0 : index
    %get3A_10 = arith.constant 0 : index
    %get3A_11 = vector.load %arg1[%get3A_8, %get3A_9, %get3A_10] : memref<1x128x1024xf32, #tpu.memory_space<vmem>>, vector<1x128x1024xf32>
    %get3A_12 = vector.shape_cast %get3A_11 : vector<1x128x1024xf32> to vector<128x1024xf32>
    %broadcast_in_dim3A = vector.shape_cast %div3A_7 : vector<1024xf32> to vector<1x1024xf32>
    %mul3A = vector.broadcast %broadcast_in_dim3A : vector<1x1024xf32> to vector<128x1024xf32>
    %mul3A_13 = arith.mulf %get3A_12, %mul3A : vector<128x1024xf32>
    %get3A_14 = arith.constant 0 : index
    %get3A_15 = arith.constant 0 : index
    %get3A_16 = arith.constant 0 : index
    %get3A_17 = vector.load %arg3[%get3A_14, %get3A_15, %get3A_16] : memref<1x1x1024xi32, #tpu.memory_space<vmem>>, vector<1x1x1024xi32>
    %get3A_18 = vector.shape_cast %get3A_17 : vector<1x1x1024xi32> to vector<1024xi32>
    %gt3A = arith.constant 0 : i32
    %gt3A_19 = vector.broadcast %gt3A : i32 to vector<1024xi32>
    %gt3A_20 = arith.cmpi sgt, %get3A_3, %gt3A_19 : vector<1024xi32>
    %iota3A = tpu.iota {dimensions = array<i32: 0>} : vector<1024x1024xi32>
    %broadcast_in_dim3A_21 = vector.shape_cast %get3A_18 : vector<1024xi32> to vector<1x1024xi32>
    %eq3A = vector.broadcast %broadcast_in_dim3A_21 : vector<1x1024xi32> to vector<1024x1024xi32>
    %eq3A_22 = arith.cmpi eq, %eq3A, %iota3A : vector<1024x1024xi32>
    %broadcast_in_dim3A_23 = vector.shape_cast %gt3A_20 : vector<1024xi1> to vector<1x1024xi1>
    %and3A = vector.broadcast %broadcast_in_dim3A_23 : vector<1x1024xi1> to vector<1024x1024xi1>
    %and3A_24 = arith.andi %eq3A_22, %and3A : vector<1024x1024xi1>
    %jit3A = arith.constant 1.000000e+00 : f32
    %jit3A_25 = arith.constant 0.000000e+00 : f32
    %broadcast_in_dim3A_26 = vector.broadcast %jit3A : f32 to vector<1024x1024xf32>
    %broadcast_in_dim3A_27 = vector.broadcast %jit3A_25 : f32 to vector<1024x1024xf32>
    %select_n3A = arith.select %and3A_24, %broadcast_in_dim3A_26, %broadcast_in_dim3A_27 : vector<1024x1024xi1>, vector<1024x1024xf32>
    %dot_general3A = arith.constant dense<0.000000e+00> : vector<1024x128xf32>
    %dot_general3A_28 = tpu.matmul %select_n3A, %mul3A_13, %dot_general3A {dimension_numbers = #tpu.dot_dimension_numbers<[1], [1], [0], [0], [0, 0, 1, 0], [], []>, transpose_lhs_hint = false} : vector<1024x1024xf32>, vector<128x1024xf32>, vector<1024x128xf32> -> vector<1024x128xf32>
    %get3A_29 = arith.constant 0 : index
    %get3A_30 = arith.constant 0 : index
    %get3A_31 = vector.load %arg4[%get3A_29, %get3A_30] : memref<768x128xf32, #tpu.memory_space<vmem>>, vector<768x128xf32>
    %dot_general3A_32 = arith.constant dense<0.000000e+00> : vector<1024x768xf32>
    %dot_general3A_33 = tpu.matmul %dot_general3A_28, %get3A_31, %dot_general3A_32 {dimension_numbers = #tpu.dot_dimension_numbers<[1], [1], [0], [0], [0, 0, 1, 0], [], []>, transpose_lhs_hint = false} : vector<1024x128xf32>, vector<768x128xf32>, vector<1024x768xf32> -> vector<1024x768xf32>
    %get3A_34 = arith.constant 0 : index
    %get3A_35 = arith.constant 0 : index
    %get3A_36 = vector.load %arg5[%get3A_34, %get3A_35] : memref<1x768xf32, #tpu.memory_space<vmem>>, vector<1x768xf32>
    %add3A = vector.broadcast %get3A_36 : vector<1x768xf32> to vector<1024x768xf32>
    %add3A_37 = arith.addf %dot_general3A_33, %add3A : vector<1024x768xf32>
    %swap3A = arith.constant 0 : index
    %swap3A_38 = arith.constant 0 : index
    %swap3A_39 = arith.constant 0 : index
    %swap3A_40 = vector.load %arg6[%swap3A, %swap3A_38, %swap3A_39] : memref<1x1024x768xf32, #tpu.memory_space<vmem>>, vector<1x1024x768xf32>
    %swap3A_41 = vector.shape_cast %swap3A_40 : vector<1x1024x768xf32> to vector<1024x768xf32>
    %swap3A_42 = vector.shape_cast %add3A_37 : vector<1024x768xf32> to vector<1x1024x768xf32>
    tpu.vector_store %arg6[%swap3A, %swap3A_38, %swap3A_39], %swap3A_42 {strides = array<i32>} : memref<1x1024x768xf32, #tpu.memory_space<vmem>>, vector<1x1024x768xf32>,
    return
  }
  func.func @transform_0(%arg0: i32) -> (i32, i32, i32) {
    %c0_i32 = arith.constant 0 : i32
    %c0_i32_0 = arith.constant 0 : i32
    %c0_i32_1 = arith.constant 0 : i32
    return %arg0, %c0_i32, %c0_i32_0 : i32, i32, i32
  }
  func.func @transform_1(%arg0: i32) -> (i32, i32, i32) {
    %c0_i32 = arith.constant 0 : i32
    %c0_i32_0 = arith.constant 0 : i32
    %c0_i32_1 = arith.constant 0 : i32
    return %arg0, %c0_i32, %c0_i32_0 : i32, i32, i32
  }
  func.func @transform_2(%arg0: i32) -> (i32, i32, i32) {
    %c0_i32 = arith.constant 0 : i32
    %c0_i32_0 = arith.constant 0 : i32
    %c0_i32_1 = arith.constant 0 : i32
    return %arg0, %c0_i32, %c0_i32_0 : i32, i32, i32
  }
  func.func @transform_3(%arg0: i32) -> (i32, i32) {
    %c0_i32 = arith.constant 0 : i32
    %c0_i32_0 = arith.constant 0 : i32
    %c0_i32_1 = arith.constant 0 : i32
    return %c0_i32, %c0_i32_0 : i32, i32
  }
  func.func @transform_4(%arg0: i32) -> (i32, i32) {
    %c0_i32 = arith.constant 0 : i32
    %c0_i32_0 = arith.constant 0 : i32
    %c0_i32_1 = arith.constant 0 : i32
    return %c0_i32, %c0_i32_0 : i32, i32
  }
  func.func @transform_5(%arg0: i32) -> (i32, i32, i32) {
    %c0_i32 = arith.constant 0 : i32
    %c0_i32_0 = arith.constant 0 : i32
    %c0_i32_1 = arith.constant 0 : i32
    return %arg0, %c0_i32, %c0_i32_0 : i32, i32, i32
  }
}

</mosaic_0001>

<sc_bundles>
// kernel: kernel.6.cloned.1.call-start
scs
__scs_entry_jumppad:
0x0: {  	(pc) =	sbr.rel $0x88, $3  }
0x1: {  	(tag) =	ssettag $0x0;
	lr =	simm.s32 $0x1  }
0x2: {  	[smem:$0x3F9A] =	sst lr;
	_ =	strace $0xD0000000  }
0x3: {  	_ = 	snop  }
0x4: {  	_ = 	snop  }
0x5: {  	_ = 	snop  }
0x6: {  	_ = 	snop  }
0x7: {  	_ = 	snop  }
__scs_overlays_trampoline_lowered:
0x8: {  	[smem:$0x3FA9] =	sst s0  }
0x9: {  	[smem:$0x3FAA] =	sst s1  }
0xa: {  	[smem:$0x3FAB] =	sst s2  }
0xb: {  	[smem:$0x3FAC] =	sst s3  }
0xc: {  	[smem:$0x3FAD] =	sst s4  }
0xd: {  	[smem:$0x3FAE] =	sst s5  }
0xe: {  	[smem:$0x3FAF] =	sst s6  }
0xf: {  	[smem:$0x3FB0] =	sst s7  }
0x10: {  	[smem:$0x3FB1] =	sst s8  }
0x11: {  	[smem:$0x3FB2] =	sst s9;
	s0 =	simm.s32 @!p0 $0x0  }
0x12: {  	s1 =	sld [smem:$0x3F98];
	s0 =	simm.s32 @p0 $0x1  }
0x13: {  	[smem:$0x3FB3] =	sst s0;
	s0 =	simm.s32 @!p1 $0x0  }
0x14: {  	s2 =	sld [smem:$0x3F97];
	s0 =	simm.s32 @p1 $0x1  }
0x15: {  	[smem:$0x3FB4] =	sst s0;
	s0 =	simm.s32 @!p2 $0x0  }
0x16: {  	s3 =	sld [smem:$0x3FDB];
	s0 =	simm.s32 @p2 $0x1  }
0x17: {  	s4 =	simm.s32 $0x1BF5;
	[smem:$0x3FB6] =	sst s0  }
0x18: {  	s0 =	sld [smem:$0x3F99];
	_ =	swait.ge [sflag:s4], $0x0  }
0x19: {  	s7 =	sld [smem:$0x3F9A]  }
0x1a: {  	s8 =	sadd.s32 $0xFFFFE003, lr  }
0x1b: {  	s9 =	sadd.s32 $0xFFFFFEF7, lr;
	s5 =	simm.s32 $0xFFFFFFFF;
	p2 =	slt.u32 s8, $0xFFFFF086  }
0x1c: {  	p1 =	slt.u32 s9, $0xF7A;
	s5 =	simm.s32 @!p2 $0x0  }
0x1d: {  	s5 =	simm.s32 @p1 $0x1;
	p0 =	seq.s32 s7, s2  }
0x1e: {  	s7 =	smul.u32 @!p0 $0xF7A, s2;
	p2 =	seq.s32 @!p0 s5, $0x0  }
0x1f: {  	s9 =	smul.u32 $0xF7A, s1;
	s8 =	simm.s32 @!p0 $0x1BF5;
	p2 =	por !p2, p0  }
0x20: {  	[sflag:s8] =	ssyncset.s32 @!p0 $0xFFFFF086;
	s6 =	sadd.s32 @!p0 s3, s7;
	s7 =	simm.s32 @!p0 $0x108  }
0x21: {  	s3 =	sadd.s32 s3, s9;
	s6 =	sadd.s32 @!p0 $0x88, s6;
	s7 =	simm.s32 @p2 $0x1082  }
0x22: {  	[simem:s7], [sflag:s8] =	dma.local @!p0 [hbm:s6], $0xF7A  }
0x23: {  	s9 =	sor.u32 $0xD0000000, s2;
	s6 =	simm.s32 $0x108;
	_ =	swait.ge @!p0 [sflag:s8], $0x0  }
0x24: {  	s3 =	sadd.s32 $0x88, s3;
	s6 =	simm.s32 @!p1 $0x1082;
	[sflag:s4] =	ssyncset.s32 $0xFFFFF086  }
0x25: {  	[simem:s6], [sflag:s4] =	dma.local [hbm:s3], $0xF7A  }
0x26: {  	[smem:$0x3F9A] =	sst s1;
	(tag) =	ssettag s2;
	_ =	strace s9  }
0x27: {  	s1 =	sld [smem:$0x3FAA]  }
0x28: {  	s2 =	sld [smem:$0x3FAB]  }
0x29: {  	s4 =	sld [smem:$0x3FAD]  }
0x2a: {  	p0 =	seq.s32 s5, $0x0;
	s5 =	sld [smem:$0x3FAE]  }
0x2b: {  	s6 =	sld [smem:$0x3FAF]  }
0x2c: {  	s7 =	sld [smem:$0x3FB0]  }
0x2d: {  	s3 =	simm.s32 $0x108;
	s8 =	sld [smem:$0x3FB1]  }
0x2e: {  	s3 =	simm.s32 @!p0 $0x1082;
	s9 =	sld [smem:$0x3FB2]  }
0x2f: {  	lr =	sadd.s32 s0, s3;
	s0 =	sld [smem:$0x3FA9]  }
0x30: {  	s3 =	sld [smem:$0x3FAC]  }
0x31: {  	[smem:$0x3FB5] =	sst s10  }
0x32: {  	s10 =	sld [smem:$0x3FB3];
	_ =	sdelay $0x3  }
0x33: {  	p0 =	seq.s32 s10, $0x1;
	s10 =	sld [smem:$0x3FB5];
	_ =	sdelay $0x3  }
0x34: {  	[smem:$0x3FB5] =	sst s10  }
0x35: {  	s10 =	sld [smem:$0x3FB4];
	_ =	sdelay $0x3  }
0x36: {  	p1 =	seq.s32 s10, $0x1;
	s10 =	sld [smem:$0x3FB5];
	_ =	sdelay $0x3  }
0x37: {  	[smem:$0x3FB5] =	sst s10  }
0x38: {  	s10 =	sld [smem:$0x3FB6]  }
0x39: {  	_ = 	snop;
	(pc) =	sbr.ind lr, $3  }
0x3a: {  	_ = 	snop  }
0x3b: {  	_ = 	snop  }
0x3c: {  	p2 =	seq.s32 s10, $0x1;
	s10 =	sld [smem:$0x3FB5]  }
0x3d: {  	_ =	shalt  }
0x3e: {  	_ =	shalt  }
0x3f: {  	_ =	shalt  }
0x40: {  	_ =	shalt  }
0x41: {  	_ =	shalt  }
0x42: {  	_ =	shalt  }
0x43: {  	_ =	shalt  }
0x44: {  	_ =	shalt  }
0x45: {  	_ =	shalt  }
0x46: {  	_ =	shalt  }
0x47: {  	_ =	shalt  }
0x48: {  	_ =	shalt  }
0x49: {  	_ =	shalt  }
0x4a: {  	_ =	shalt  }
0x4b: {  	_ =	shalt  }
0x4c: {  	_ =	shalt  }
0x4d: {  	_ =	shalt  }
0x4e: {  	_ =	shalt  }
0x4f: {  	_ =	shalt  }
0x50: {  	_ =	shalt  }
0x51: {  	_ =	shalt  }
0x52: {  	_ =	shalt  }
0x53: {  	_ =	shalt  }
0x54: {  	_ =	shalt  }
0x55: {  	_ =	shalt  }
0x56: {  	_ =	shalt  }
0x57: {  	_ =	shalt  }
0x58: {  	_ =	shalt  }
0x59: {  	_ =	shalt  }
0x5a: {  	_ =	shalt  }
0x5b: {  	_ =	shalt  }
0x5c: {  	_ =	shalt  }
0x5d: {  	_ =	shalt  }
0x5e: {  	_ =	shalt  }
0x5f: {  	_ =	shalt  }
0x60: {  	_ =	shalt  }
0x61: {  	_ =	shalt  }
0x62: {  	_ =	shalt  }
0x63: {  	_ =	shalt  }
0x64: {  	_ =	shalt  }
0x65: {  	_ =	shalt  }
0x66: {  	_ =	shalt  }
0x67: {  	_ =	shalt  }
0x68: {  	_ =	shalt  }
0x69: {  	_ =	shalt  }
0x6a: {  	_ =	shalt  }
0x6b: {  	_ =	shalt  }
0x6c: {  	_ =	shalt  }
0x6d: {  	_ =	shalt  }
0x6e: {  	_ =	shalt  }
0x6f: {  	_ =	shalt  }
0x70: {  	_ =	shalt  }
0x71: {  	_ =	shalt  }
0x72: {  	_ =	shalt  }
0x73: {  	_ =	shalt  }
0x74: {  	_ =	shalt  }
0x75: {  	_ =	shalt  }
0x76: {  	_ =	shalt  }
0x77: {  	_ =	shalt  }
0x78: {  	_ =	shalt  }
0x79: {  	_ =	shalt  }
0x7a: {  	_ =	shalt  }
0x7b: {  	_ =	shalt  }
0x7c: {  	_ =	shalt  }
0x7d: {  	_ =	shalt  }
0x7e: {  	_ =	shalt  }
0x7f: {  	_ =	shalt  }
0x80: {  	_ =	shalt  }
0x81: {  	_ =	shalt  }
0x82: {  	_ =	shalt  }
0x83: {  	_ =	shalt  }
0x84: {  	_ =	shalt  }
0x85: {  	_ =	shalt  }
0x86: {  	_ =	shalt  }
0x87: {  	_ =	shalt  }
.Lfunc_end0:
.L_simem_size_0:
called_computation_lowered:
.L_overlay_start_0:
0x88: {  	s2 =	sld [smem:$0x3FD9]  }
0x89: {  	s3 =	sld [smem:$0x3FFE];
	_ =	sdelay $0x1  }
0x8a: {  	s1 =	srdreg.scid  }
0x8b: {  	s0 =	sand.u32 $0x1, s1  }
0x8c: {  	s14 =	sshll.u32 s0, $0xA;
	s2 =	sadd.s32 s3, s2  }
0x8d: {  	s2 =	sadd.s32 s2, s14  }
0x8e: {  	[smem:$0x3FC1] =	sst s2  }
0x8f: {  	_ = 	snop  }
0x90: {  	s2 =	sld [smem:$0x3FD0];
	_ =	sdelay $0x2  }
0x91: {  	s15 =	simm.s32 $0xA;
	s4 =	simm.s32 $0x10  }
0x92: {  	[smem:s4], [sflag:s15] =	dma.local [hbm:s2], $0x1  }
0x93: {  	_ =	swait.eq [sflag:s15], $0x1  }
0x94: {  	[sflag:s15] =	ssyncset.done $0x0  }
0x95: {  	[sflag:s15] =	ssyncadd.s32 $0xFFFFFFFF  }
0x96: {  	s16 =	sld [smem:$0x11];
	(tm) =	ssettm $0x1  }
0x97: {  	s17 =	sld [smem:$0x3FFB];
	_ =	sdelay $0x3  }
0x98: {  	_ =	strace s17  }
0x99: {  	s3 =	sld [smem:$0x3FFC];
	_ =	sdelay $0x3  }
0x9a: {  	_ =	strace s3  }
0x9b: {  	s3 =	sld [smem:$0x3FFD];
	_ =	sdelay $0x3  }
0x9c: {  	_ =	strace s3  }
0x9d: {  	_ =	strace $0x8FFFFFFF  }
0x9e: {  	s18 =	sld [smem:$0x3FDB];
	_ =	sdelay $0x1  }
0x9f: {  	s19 =	simm.s32 $_scs_section_size  }
0xa0: {  	s5 =	simm.s32 $_size__tile_overlayer_lowered;
	s6 =	simm.s32 $_tile_overlayer_lowered  }
0xa1: {  	s22 =	simm.s32 $0x1BFF;
	s21 =	sshll.u32 s6, $0x1;
	s3 =	sadd.s32 s19, s18  }
0xa2: {  	s7 =	simm.s32 $0x0;
	s20 =	sshll.u32 s5, $0x1;
	s5 =	sadd.s32 s21, s3  }
0xa3: {  	[timem:s7], [sflag:s22] =	dma.local [hbm:s5], s20  }
0xa4: {  	_ =	swait.ge [sflag:s22], s20  }
0xa5: {  	s4 =	ssub.s32 $0x0, s20;
	[sflag:s22] =	ssyncset.done $0x0  }
0xa6: {  	[sflag:s22] =	ssyncadd.s32 s4;
	_ =	sdelay $0x1  }
0xa7: {  	s23 =	simm.s32 $0x1B8B  }
0xa8: {  	_ =	swait.ge [sflag:s23], $0x1  }
0xa9: {  	[sflag:s23] =	ssyncset.done $0x0  }
0xaa: {  	s25 =	simm.s32 $0x1B8E;
	s24 =	sld [smem:$0x3FFE];
	[sflag:s23] =	ssyncadd.s32 $0xFFFFFFFF  }
0xab: {  	s26 =	simm.s32 $execute0_lowered;
	[smem:$0x3FD2] =	sst s25  }
0xac: {  	s5 =	sshll.u32 s26, $0x1;
	_ =	strace $0x80000046;
	[dreg:$0x1] =	wrdreg $0xFFFFFFFF  }
0xad: {  	s28 =	simm.s32 $_size_execute0_lowered;
	s3 =	sadd.s32 s3, s5;
	[dreg:$0x0] =	wrdreg $0x0  }
0xae: {  	s5 =	sshll.u32 s28, $0x1;
	[dreg:$0x2] =	wrdreg s3  }
0xaf: {  	[dreg:$0x3] =	wrdreg s5  }
0xb0: {  	[dreg:$0x4] =	wrdreg $0xC0  }
0xb1: {  	_ =	task [dreg:s7], $0x5FFFF  }
0xb2: {  	[dreg:$0x1] =	wrdreg $0xFFFFFFFF  }
0xb3: {  	[dreg:$0x0] =	wrdreg $0x60  }
0xb4: {  	[dreg:$0x2] =	wrdreg s16  }
0xb5: {  	[dreg:$0x3] =	wrdreg s24  }
0xb6: {  	[dreg:$0x4] =	wrdreg $0x9  }
0xb7: {  	_ =	task.clear_ibuf [dreg:s7], $0x5FFFF;
	_ =	strace $0x90000046  }
0xb8: {  	s29 =	simm.s32 $0x9;
	_ =	strace $0x80000048  }
0xb9: {  	_ =	swait.ge [sflag:s29], $0x1  }
0xba: {  	[sflag:s29] =	ssyncadd.s32 $0xFFFFFFFF  }
0xbb: {  	_ =	strace $0x90000048  }
0xbc: {  	_ =	sfence  }
0xbd: {  	s30 =	sld [smem:$0x0];
	_ =	sdelay $0x2  }
0xbe: {  	s31 =	sshll.u32 s1, $0xD;
	s1 =	sshrl.u32 s1, $0x2  }
0xbf: {  	s3 =	sand.u32 $0x4000, s31;
	s1 =	sadd.s32 s1, s30  }
0xc0: {  	s0 =	sor.u32 s3, s0;
	s1 =	sshll.u32 s1, $0x11  }
0xc1: {  	s0 =	sor.u32 s1, s0  }
0xc2: {  	s0 =	sadd.s32 $0x8F2B, s0  }
0xc3: {  	[sflag:s0] =	ssyncadd.remote.s32 $0x1  }
0xc4: {  	_ =	sfence.sel $0xFFFF  }
0xc5: {  	[dreg:$0x0] =	wrdreg $0xFFFFFFFF;
	(pc) =	sbr.abs _section_cstart, $3  }
0xc6: {  	[dreg:$0x1] =	wrdreg $0xFFFFFFFF  }
0xc7: {  	_ =	task.clear_ibuf [dreg:s7], $0x2FFFF;
	_ =	strace $0x9FFFFFFF  }
0xc8: {  	(tm) =	ssettm $0x7FFFFFFF  }
0xc9: {  	_ =	shalt  }
tec
execute0_lowered:
.L_overlay_start_1:
0x0: {  	(tag) =	ssettag $0x1  }
0x1: {  	s1 =	srdreg.scid  }
0x2: {  	s0 =	stileid.u32;
	s6 =	rddreg [dreg:$0x0]  }
0x3: {  	s8 =	rddreg [dreg:$0x1];
	s13 =	simm.s32 $0x0;
	s3 =	sand.u32 $0x1, s1  }
0x4: {  	s2 =	sshrl.u32 s0, $0x2;
	s10 =	sand.u32 $0x3, s0;
	s11 =	sshll.u32 s0, $0x7  }
0x5: {  	s1 =	sshll.u32 s3, $0x2;
	s7 =	smul.u32 $0x3100, s10;
	s9 =	sshll.u32 s3, $0xB  }
0x6: {  	s3 =	ssub.s32 $0x2, s3;
	p0 =	sne.s32 s10, $0x0;
	s10 =	simm.s32 $0x8100  }
0x7: {  	s4 =	sor.u32 s2, s1;
	s1 =	rddreg [dreg:$0x2];
	s2 =	simm.s32 $0x0  }
0x8: {  	s9 =	sor.u32 s11, s9;
	s29 =	sshrl.u32 s3, $0x1;
	s5 =	smul.u32 $0xC400, s4  }
0x9: {  	s11 =	simm.s32 $0x8500;
	[smem:$0x7FF] =	sst s2;
	s4 =	sshll.u32 s4, $0x7  }
0xa: {  	s30 =	sadd.s32 s9, s8;
	s31 =	ssub.s32 s3, s29;
	s5 =	sadd.s32 s7, s5  }
0xb: {  	s9 =	simm.s32 $0x1;
	_ =	strace $0x80000047;
	s5 =	sshrl.u32 s5, $0x3  }
0xc: {  	s12 =	sadd.s32 s4, s8;
	s4 =	sadd.s32 $0x1E00, s30;
	s28 =	sadd.s32 s5, s8  }
0xd: {  	v1 =	vlaneseq.u32;
	s3 =	sadd.s32 s6, s5;
	s5 =	sadd.s32 $0xF600, s12;
	s6 =	sadd.s32 $0xF200, s12  }
0xe: {  	v0 =	vimm.s32 $0x0;
	v2 =	vimm.s32 $0x1;
	v1 =	vmul.u32 $0x400, v1;
	s8 =	smax.u32 s31, $0x1;
	s12 =	simm.s32 $0x8900;
	s7 =	sadd.s32 $0x2E00, s28  }
.LBB2_1:
0xf: {  	[tilespmem:s2], [sflag:$0x1] =	stream.linear.gather [hbm4b:s3+s2], $0x3100, $0x38;
	[tilespmem:$0xBA00] =	vst v63  }
0x10: {  	_ =	swait.ge [sflag:s9], $0x3100  }
0x11: {  	[sflag:s9] =	ssyncset.done $0x0  }
0x12: {  	s15 =	simm.s32 $0x0;
	s14 =	simm.s32 $0x200;
	[sflag:s9] =	ssyncadd.s32 $0xFFFFCF00  }
.LBB2_2:
0x13: {  	p1 =	sne.s32 s14, $0xFE00;
	[tilespmem:s15+$0x3170] =	vst v0  }
0x14: {  	[tilespmem:s15+$0x3100] =	vst v0  }
0x15: {  	[tilespmem:s15+$0x3110] =	vst v0  }
.Ltmp0:
0x16: {  	[tilespmem:s15+$0x3120] =	vst v0;
	(pc) =	sbr.rel @p1 .LBB2_2-.Ltmp0, $4  }
0x17: {  	[tilespmem:s15+$0x3130] =	vst v0  }
0x18: {  	[tilespmem:s15+$0x3140] =	vst v0  }
0x19: {  	[tilespmem:s15+$0x3150] =	vst v0  }
0x1a: {  	[tilespmem:s15+$0x3160] =	vst v0;
	s15 =	sshra.s32 s14, $0x2;
	s14 =	sadd.s32 $0x200, s14  }
0x1b: {  	[tilespmem:s15+$0x3170] =	vst v0  }
0x1c: {  	[tilespmem:s15+$0x3100] =	vst v0  }
0x1d: {  	[tilespmem:s15+$0x3110] =	vst v0  }
0x1e: {  	[tilespmem:s15+$0x3120] =	vst v0  }
0x1f: {  	[tilespmem:s15+$0x3130] =	vst v0  }
0x20: {  	[tilespmem:s15+$0x3140] =	vst v0  }
0x21: {  	[tilespmem:s15+$0x3150] =	vst v0  }
0x22: {  	s14 =	simm.s32 $0x0;
	[tilespmem:s15+$0x3160] =	vst v0;
	s15 =	simm.s32 $0x0  }
.LBB2_4:
0x23: {  	s17 =	sshra.s32 s15, $0x2  }
0x24: {  	v3 =	vld [tilespmem:s17+$0x0];
	_ =	sdelay $0x4  }
0x25: {  	v3 =	vadd.s32 v1, v3;
	_ =	sdelay $0x3  }
0x26: {  	s16 =	simm.s32 $0x3100  }
0x27: {  	[tilespmem:v3+s16+$0x0] =	vst.idx.add.s32.msk $0xffff, v2  }
0x28: {  	v3 =	vld [tilespmem:s17+$0x10];
	_ =	sdelay $0x4  }
0x29: {  	v3 =	vadd.s32 v1, v3;
	_ =	sdelay $0x4  }
0x2a: {  	[tilespmem:v3+s16+$0x0] =	vst.idx.add.s32.msk $0xffff, v2  }
0x2b: {  	v3 =	vld [tilespmem:s17+$0x20];
	_ =	sdelay $0x4  }
0x2c: {  	v3 =	vadd.s32 v1, v3;
	_ =	sdelay $0x4  }
0x2d: {  	[tilespmem:v3+s16+$0x0] =	vst.idx.add.s32.msk $0xffff, v2  }
0x2e: {  	v3 =	vld [tilespmem:s17+$0x30];
	_ =	sdelay $0x4  }
0x2f: {  	v3 =	vadd.s32 v1, v3;
	_ =	sdelay $0x4  }
0x30: {  	[tilespmem:v3+s16+$0x0] =	vst.idx.add.s32.msk $0xffff, v2  }
0x31: {  	v3 =	vld [tilespmem:s17+$0x40];
	_ =	sdelay $0x4  }
0x32: {  	v3 =	vadd.s32 v1, v3;
	_ =	sdelay $0x4  }
0x33: {  	[tilespmem:v3+s16+$0x0] =	vst.idx.add.s32.msk $0xffff, v2  }
0x34: {  	v3 =	vld [tilespmem:s17+$0x50];
	_ =	sdelay $0x4  }
0x35: {  	v3 =	vadd.s32 v1, v3;
	_ =	sdelay $0x4  }
0x36: {  	[tilespmem:v3+s16+$0x0] =	vst.idx.add.s32.msk $0xffff, v2  }
0x37: {  	v3 =	vld [tilespmem:s17+$0x60];
	_ =	sdelay $0x4  }
0x38: {  	v3 =	vadd.s32 v1, v3;
	_ =	sdelay $0x4  }
0x39: {  	[tilespmem:v3+s16+$0x0] =	vst.idx.add.s32.msk $0xffff, v2  }
0x3a: {  	v3 =	vld [tilespmem:s17+$0x70];
	_ =	sdelay $0x4  }
0x3b: {  	p1 =	sne.s32 s15, $0xC200;
	v3 =	vadd.s32 v1, v3  }
.Ltmp1:
0x3c: {  	_ = 	snop;
	(pc) =	sbr.rel @p1 .LBB2_4-.Ltmp1, $2  }
0x3d: {  	_ =	sdelay $0x2  }
0x3e: {  	s15 =	sadd.s32 $0x200, s15;
	[tilespmem:v3+s16+$0x0] =	vst.idx.add.s32.msk $0xffff, v2  }
0x3f: {  	s14 =	sand.u32 $0x3F0, s14;
	v4 =	vld [tilespmem:s16+$0x0]  }
0x40: {  	v3 =	vld [tilespmem:s14+$0x3500]  }
0x41: {  	v5 =	vld [tilespmem:s14+$0x3900]  }
0x42: {  	v6 =	vld [tilespmem:s14+$0x3D00]  }
0x43: {  	v7 =	vld [tilespmem:s14+$0x4100]  }
0x44: {  	v8 =	vld [tilespmem:s14+$0x4500]  }
0x45: {  	v3 =	vadd.s32 v4, v3;
	v4 =	vld [tilespmem:s14+$0x4900]  }
0x46: {  	v3 =	vadd.s32 v5, v3;
	v5 =	vld [tilespmem:s14+$0x4D00]  }
0x47: {  	v58 =	vld [tilespmem:s14+$0x5100];
	v3 =	vadd.s32 v6, v3  }
0x48: {  	v59 =	vld [tilespmem:s14+$0x5500];
	v3 =	vadd.s32 v7, v3  }
0x49: {  	v60 =	vld [tilespmem:s14+$0x5900];
	v3 =	vadd.s32 v8, v3  }
0x4a: {  	v3 =	vadd.s32 v4, v3;
	v4 =	vld [tilespmem:s14+$0x5D00]  }
0x4b: {  	v3 =	vadd.s32 v5, v3;
	v5 =	vld [tilespmem:s14+$0x6100]  }
0x4c: {  	v61 =	vld [tilespmem:s14+$0x6500];
	v3 =	vadd.s32 v58, v3  }
0x4d: {  	v62 =	vld [tilespmem:s14+$0x6900];
	v3 =	vadd.s32 v59, v3  }
0x4e: {  	v63 =	vld [tilespmem:s14+$0x6D00];
	v3 =	vadd.s32 v60, v3  }
0x4f: {  	v3 =	vadd.s32 v4, v3  }
0x50: {  	v3 =	vadd.s32 v5, v3  }
0x51: {  	v3 =	vadd.s32 v61, v3  }
0x52: {  	v3 =	vadd.s32 v62, v3  }
0x53: {  	s15 =	simm.s32 $0x10;
	s14 =	simm.s32 $0x8100;
	v3 =	vadd.s32 v63, v3  }
0x54: {  	s15 =	sand.u32 $0x3F0, s15;
	[tilespmem:s14+$0x0] =	vst v3  }
0x55: {  	s17 =	simm.s32 $0x20;
	s16 =	simm.s32 $0x3110;
	v3 =	vld [tilespmem:s15+$0x3500]  }
.LBB2_6:
0x56: {  	p1 =	sne.s32 s17, $0x3F0;
	v4 =	vld [tilespmem:s16+$0x0]  }
0x57: {  	v5 =	vld [tilespmem:s15+$0x3900]  }
0x58: {  	v6 =	vld [tilespmem:s15+$0x3D00]  }
0x59: {  	v7 =	vld [tilespmem:s15+$0x4100]  }
0x5a: {  	v8 =	vld [tilespmem:s15+$0x4500]  }
0x5b: {  	v3 =	vadd.s32 v4, v3;
	v4 =	vld [tilespmem:s15+$0x4900]  }
0x5c: {  	v3 =	vadd.s32 v5, v3;
	v5 =	vld [tilespmem:s15+$0x4D00]  }
0x5d: {  	v3 =	vadd.s32 v6, v3;
	v6 =	vld [tilespmem:s15+$0x5100]  }
0x5e: {  	v3 =	vadd.s32 v7, v3;
	v7 =	vld [tilespmem:s15+$0x5500]  }
0x5f: {  	v3 =	vadd.s32 v8, v3;
	v8 =	vld [tilespmem:s15+$0x5900]  }
0x60: {  	v3 =	vadd.s32 v4, v3;
	v4 =	vld [tilespmem:s15+$0x5D00]  }
0x61: {  	v3 =	vadd.s32 v5, v3;
	v5 =	vld [tilespmem:s15+$0x6100]  }
0x62: {  	v3 =	vadd.s32 v6, v3;
	v6 =	vld [tilespmem:s15+$0x6500]  }
0x63: {  	v3 =	vadd.s32 v7, v3;
	v7 =	vld [tilespmem:s15+$0x6900]  }
0x64: {  	v3 =	vadd.s32 v8, v3;
	v8 =	vld [tilespmem:s15+$0x6D00]  }
0x65: {  	v3 =	vadd.s32 v4, v3  }
0x66: {  	v3 =	vadd.s32 v5, v3  }
.Ltmp2:
0x67: {  	v3 =	vadd.s32 v6, v3;
	(pc) =	sbr.rel @p1 .LBB2_6-.Ltmp2, $4  }
0x68: {  	v3 =	vadd.s32 v7, v3  }
0x69: {  	s14 =	sadd.s32 $0x10, s14;
	v3 =	vadd.s32 v8, v3  }
0x6a: {  	s15 =	sand.u32 $0x3F0, s17;
	[tilespmem:s14+$0x0] =	vst v3  }
0x6b: {  	s16 =	sadd.s32 $0x10, s16;
	s17 =	sadd.s32 $0x10, s17;
	v3 =	vld [tilespmem:s15+$0x3500]  }
0x6c: {  	v4 =	vld [tilespmem:s16+$0x0]  }
0x6d: {  	v5 =	vld [tilespmem:s15+$0x3900]  }
0x6e: {  	v6 =	vld [tilespmem:s15+$0x3D00]  }
0x6f: {  	v7 =	vld [tilespmem:s15+$0x4100]  }
0x70: {  	v8 =	vld [tilespmem:s15+$0x4500]  }
0x71: {  	v54 =	vld [tilespmem:s15+$0x4900];
	v3 =	vadd.s32 v4, v3  }
0x72: {  	v55 =	vld [tilespmem:s15+$0x4D00];
	v3 =	vadd.s32 v5, v3  }
0x73: {  	v56 =	vld [tilespmem:s15+$0x5100];
	v3 =	vadd.s32 v6, v3  }
0x74: {  	v57 =	vld [tilespmem:s15+$0x5500];
	v3 =	vadd.s32 v7, v3  }
0x75: {  	v58 =	vld [tilespmem:s15+$0x5900];
	v3 =	vadd.s32 v8, v3  }
0x76: {  	v59 =	vld [tilespmem:s15+$0x5D00];
	v3 =	vadd.s32 v54, v3  }
0x77: {  	v60 =	vld [tilespmem:s15+$0x6100];
	v3 =	vadd.s32 v55, v3  }
0x78: {  	v61 =	vld [tilespmem:s15+$0x6500];
	v3 =	vadd.s32 v56, v3  }
0x79: {  	v62 =	vld [tilespmem:s15+$0x6900];
	v3 =	vadd.s32 v57, v3  }
0x7a: {  	v63 =	vld [tilespmem:s15+$0x6D00];
	v3 =	vadd.s32 v58, v3  }
0x7b: {  	v3 =	vadd.s32 v59, v3  }
0x7c: {  	v3 =	vadd.s32 v60, v3  }
0x7d: {  	v3 =	vadd.s32 v61, v3  }
0x7e: {  	v3 =	vadd.s32 v62, v3  }
0x7f: {  	s14 =	sadd.s32 $0x10, s14;
	v3 =	vadd.s32 v63, v3  }
0x80: {  	[tilespmem:s14+$0x0] =	vst v3  }
0x81: {  	[hbm4b:s4+s2] =	stream.linear.scatter [tilespmem:s10], [sflag:$0x1], $0x400, $0x38;
	[tilespmem:$0xBA00] =	vst v63  }
.Ltmp3:
0x82: {  	_ =	swait.ge [sflag:s9], $0x400;
	(pc) =	sbr.rel @p0 .LBB2_11-.Ltmp3, $3  }
0x83: {  	[sflag:s9] =	ssyncset.done $0x0  }
0x84: {  	[sflag:s9] =	ssyncadd.s32 $0xFFFFFC00  }
0x85: {  	[bflag:$0x0] =	sbarrier.arrive $0xFFFF;
	_ =	sdelay $0x1  }
0x86: {  	s14 =	simm.s32 $0x0;
	s15 =	simm.s32 $0x7100  }
0x87: {  	[tilespmem:s15], [sflag:$0x1] =	stream.linear.gather [hbm4b:s4+s14], $0x1000, $0x38;
	[tilespmem:$0xBA00] =	vst v63  }
0x88: {  	_ =	swait.ge [sflag:s9], $0x1000  }
0x89: {  	[sflag:s9] =	ssyncset.done $0x0  }
0x8a: {  	s16 =	sand.u32 $0x3F0, s14;
	[sflag:s9] =	ssyncadd.s32 $0xFFFFF000  }
0x8b: {  	v3 =	vld [tilespmem:s16+$0x7500]  }
0x8c: {  	v4 =	vld [tilespmem:s15+$0x0]  }
0x8d: {  	v5 =	vld [tilespmem:s16+$0x7900]  }
0x8e: {  	v6 =	vld [tilespmem:s16+$0x7D00];
	_ =	sdelay $0x2  }
0x8f: {  	v3 =	vadd.s32 v4, v3  }
0x90: {  	v3 =	vadd.s32 v5, v3  }
0x91: {  	v3 =	vadd.s32 v6, v3  }
0x92: {  	vm0 =	vgt.s32 v3, $0x0  }
0x93: {  	v4 =	vsel vm0, $0x1, v0  }
0x94: {  	(xrf0) =	vadd.scan.msk.s32 $0xffff, v4;
	_ =	sdelay $0x4  }
0x95: {  	v4 =	vsel vm0, $0xFFFFFFFF, v0  }
0x96: {  	v4 =	vadd.s32 s14, v4;
	v5, _, _ =	vpop (xrf0)  }
0x97: {  	s15 =	simm.s32 $0x8500;
	v4 =	vadd.s32 v5, v4;
	(v2sf) =	vpush v5, $0xF  }
0x98: {  	s17 =	simm.s32 $0x10;
	s16 =	simm.s32 $0x8100;
	[tilespmem:s15+$0x0] =	vst v4  }
0x99: {  	s19 =	sand.u32 $0x3F0, s17;
	[tilespmem:s16+$0x0] =	vst v3  }
0x9a: {  	s18 =	simm.s32 $0x20;
	s17 =	simm.s32 $0x7110;
	v3 =	vld [tilespmem:s19+$0x7500]  }
.LBB2_9:
0x9b: {  	p1 =	sne.s32 s18, $0x3F0;
	v4 =	vld [tilespmem:s17+$0x0]  }
0x9c: {  	v5 =	vld [tilespmem:s19+$0x7900]  }
0x9d: {  	v6 =	vld [tilespmem:s19+$0x7D00];
	_ =	sdelay $0x2  }
0x9e: {  	v3 =	vadd.s32 v4, v3  }
0x9f: {  	v3 =	vadd.s32 v5, v3  }
0xa0: {  	v3 =	vadd.s32 v6, v3  }
0xa1: {  	vm0 =	vgt.s32 v3, $0x0  }
0xa2: {  	v4 =	vsel vm0, $0xFFFFFFFF, v0;
	v5 =	vsel vm0, $0x1, v0  }
0xa3: {  	(xrf0) =	vadd.scan.msk.s32 $0xffff, v5  }
0xa4: {  	s19 =	spop (v2sf)  }
0xa5: {  	s14 =	sadd.s32 s14, s19  }
0xa6: {  	v4 =	vadd.s32 s14, v4;
	_ =	sdelay $0x2  }
.Ltmp4:
0xa7: {  	v5, _, _ =	vpop (xrf0);
	(pc) =	sbr.rel @p1 .LBB2_9-.Ltmp4, $4  }
0xa8: {  	s15 =	sadd.s32 $0x10, s15;
	v4 =	vadd.s32 v5, v4;
	(v2sf) =	vpush v5, $0xF  }
0xa9: {  	s16 =	sadd.s32 $0x10, s16;
	[tilespmem:s15+$0x0] =	vst v4  }
0xaa: {  	s19 =	sand.u32 $0x3F0, s18;
	[tilespmem:s16+$0x0] =	vst v3  }
0xab: {  	s17 =	sadd.s32 $0x10, s17;
	s18 =	sadd.s32 $0x10, s18;
	v3 =	vld [tilespmem:s19+$0x7500]  }
0xac: {  	v4 =	vld [tilespmem:s17+$0x0]  }
0xad: {  	v5 =	vld [tilespmem:s19+$0x7900]  }
0xae: {  	v6 =	vld [tilespmem:s19+$0x7D00];
	_ =	sdelay $0x2  }
0xaf: {  	v3 =	vadd.s32 v4, v3  }
0xb0: {  	v3 =	vadd.s32 v5, v3  }
0xb1: {  	v3 =	vadd.s32 v6, v3  }
0xb2: {  	vm0 =	vgt.s32 v3, $0x0  }
0xb3: {  	v62 =	vsel vm0, $0x1, v0  }
0xb4: {  	(xrf0) =	vadd.scan.msk.s32 $0xffff, v62;
	_ =	sdelay $0x5  }
0xb5: {  	v4, _, _ =	vpop (xrf0)  }
0xb6: {  	(v2sf) =	vpush v4, $0xF;
	_ =	sdelay $0x7  }
0xb7: {  	s28 =	spop (v2sf)  }
0xb8: {  	v63 =	vsel vm0, $0xFFFFFFFF, v0;
	s14 =	sadd.s32 s14, s28  }
0xb9: {  	v5 =	vadd.s32 s14, v63  }
0xba: {  	s29 =	sadd.s32 $0x10, s15;
	v4 =	vadd.s32 v4, v5  }
0xbb: {  	s30 =	sadd.s32 $0x10, s16;
	[tilespmem:s29+$0x0] =	vst v4  }
0xbc: {  	[tilespmem:s30+$0x0] =	vst v3  }
0xbd: {  	[hbm4b:s5+s2] =	stream.linear.scatter [tilespmem:s11], [sflag:$0x1], $0x400, $0x38;
	[tilespmem:$0xBA00] =	vst v63  }
0xbe: {  	s31 =	spop (v2sf)  }
0xbf: {  	_ =	swait.ge [sflag:s9], $0x400  }
0xc0: {  	[sflag:s9] =	ssyncset.done $0x0  }
0xc1: {  	[sflag:s9] =	ssyncadd.s32 $0xFFFFFC00  }
0xc2: {  	[hbm4b:s6+s2] =	stream.linear.scatter [tilespmem:s10], [sflag:$0x1], $0x400, $0x38;
	[tilespmem:$0xBA00] =	vst v63  }
0xc3: {  	_ =	swait.ge [sflag:s9], $0x400  }
0xc4: {  	[sflag:s9] =	ssyncset.done $0x0  }
0xc5: {  	[sflag:s9] =	ssyncadd.s32 $0xFFFFFC00  }
.LBB2_11:
0xc6: {  	[bflag:$0x0] =	sbarrier.arrive $0xFFFF;
	s14 =	simm.s32 $0x0  }
0xc7: {  	[tilespmem:s11], [sflag:$0x1] =	stream.linear.gather [hbm4b:s5+s14], $0x400, $0x38;
	[tilespmem:$0xBA00] =	vst v63  }
0xc8: {  	_ =	swait.ge [sflag:s9], $0x400  }
0xc9: {  	[sflag:s9] =	ssyncset.done $0x0  }
0xca: {  	s14 =	simm.s32 $0x0;
	[sflag:s9] =	ssyncadd.s32 $0xFFFFFC00  }
0xcb: {  	v3 =	vld [tilespmem:s14+$0x0];
	_ =	sdelay $0x5  }
0xcc: {  	v4 =	vld [tilespmem:s14+$0x10];
	_ =	sdelay $0x1  }
0xcd: {  	v3 =	vld.idx.msk [tilespmem:v3+s11+$0x0], $0xffff;
	_ =	sdelay $0x4  }
0xce: {  	[tilespmem:s14+$0x8900] =	vst v3;
	v3 =	vld [tilespmem:s14+$0x20]  }
0xcf: {  	v4 =	vld.idx.msk [tilespmem:v4+s11+$0x0], $0xffff;
	_ =	sdelay $0x4  }
0xd0: {  	[tilespmem:s14+$0x8910] =	vst v4;
	v4 =	vld [tilespmem:s14+$0x30];
	_ =	sdelay $0x1  }
0xd1: {  	v3 =	vld.idx.msk [tilespmem:v3+s11+$0x0], $0xffff;
	_ =	sdelay $0x4  }
0xd2: {  	[tilespmem:s14+$0x8920] =	vst v3;
	v3 =	vld [tilespmem:s14+$0x40]  }
0xd3: {  	v4 =	vld.idx.msk [tilespmem:v4+s11+$0x0], $0xffff;
	_ =	sdelay $0x4  }
0xd4: {  	[tilespmem:s14+$0x8930] =	vst v4;
	v4 =	vld [tilespmem:s14+$0x50];
	_ =	sdelay $0x1  }
0xd5: {  	v3 =	vld.idx.msk [tilespmem:v3+s11+$0x0], $0xffff;
	_ =	sdelay $0x4  }
0xd6: {  	v5 =	vld [tilespmem:s14+$0x60];
	[tilespmem:s14+$0x8940] =	vst v3  }
0xd7: {  	v3 =	vld.idx.msk [tilespmem:v4+s11+$0x0], $0xffff;
	_ =	sdelay $0x4  }
0xd8: {  	[tilespmem:s14+$0x8950] =	vst v3;
	v3 =	vld [tilespmem:s14+$0x70];
	_ =	sdelay $0x1  }
0xd9: {  	v4 =	vld.idx.msk [tilespmem:v5+s11+$0x0], $0xffff;
	_ =	sdelay $0x3  }
0xda: {  	s16 =	simm.s32 $0x80;
	s15 =	simm.s32 $0x400  }
.LBB2_12:
0xdb: {  	p1 =	sne.s32 s15, $0xC200;
	v5 =	vld [tilespmem:s16+$0x0];
	[tilespmem:s14+$0x8960] =	vst v4  }
0xdc: {  	v3 =	vld.idx.msk [tilespmem:v3+s11+$0x0], $0xffff;
	_ =	sdelay $0x5  }
0xdd: {  	v4 =	vld [tilespmem:s16+$0x10];
	[tilespmem:s14+$0x8970] =	vst v3;
	s14 =	smov.u32 s16  }
0xde: {  	v3 =	vld.idx.msk [tilespmem:v5+s11+$0x0], $0xffff;
	_ =	sdelay $0x5  }
0xdf: {  	[tilespmem:s14+$0x8900] =	vst v3;
	v3 =	vld [tilespmem:s14+$0x20]  }
0xe0: {  	v4 =	vld.idx.msk [tilespmem:v4+s11+$0x0], $0xffff;
	_ =	sdelay $0x5  }
0xe1: {  	[tilespmem:s14+$0x8910] =	vst v4;
	v4 =	vld [tilespmem:s14+$0x30]  }
0xe2: {  	v3 =	vld.idx.msk [tilespmem:v3+s11+$0x0], $0xffff;
	_ =	sdelay $0x5  }
0xe3: {  	[tilespmem:s14+$0x8920] =	vst v3;
	v3 =	vld [tilespmem:s14+$0x40]  }
0xe4: {  	v4 =	vld.idx.msk [tilespmem:v4+s11+$0x0], $0xffff;
	_ =	sdelay $0x5  }
0xe5: {  	[tilespmem:s14+$0x8930] =	vst v4;
	v4 =	vld [tilespmem:s14+$0x50]  }
0xe6: {  	v3 =	vld.idx.msk [tilespmem:v3+s11+$0x0], $0xffff;
	_ =	sdelay $0x5  }
0xe7: {  	[tilespmem:s14+$0x8940] =	vst v3;
	v5 =	vld [tilespmem:s14+$0x60]  }
0xe8: {  	v3 =	vld.idx.msk [tilespmem:v4+s11+$0x0], $0xffff;
	_ =	sdelay $0x5  }
0xe9: {  	[tilespmem:s14+$0x8950] =	vst v3;
	v3 =	vld [tilespmem:s14+$0x70]  }
0xea: {  	v4 =	vld.idx.msk [tilespmem:v5+s11+$0x0], $0xffff  }
.Ltmp5:
0xeb: {  	(pc) =	sbr.rel @p1 .LBB2_12-.Ltmp5, $2  }
0xec: {  	_ =	sdelay $0x2  }
0xed: {  	s16 =	sshra.s32 s15, $0x2;
	s15 =	sadd.s32 $0x200, s15  }
0xee: {  	_ =	sdelay $0x1  }
0xef: {  	v5 =	vld [tilespmem:s16+$0x0]  }
0xf0: {  	[tilespmem:s14+$0x8960] =	vst v4  }
0xf1: {  	v3 =	vld.idx.msk [tilespmem:v3+s11+$0x0], $0xffff;
	_ =	sdelay $0x4  }
0xf2: {  	v4 =	vld [tilespmem:s16+$0x10];
	[tilespmem:s14+$0x8970] =	vst v3  }
0xf3: {  	v3 =	vld.idx.msk [tilespmem:v5+s11+$0x0], $0xffff;
	_ =	sdelay $0x4  }
0xf4: {  	[tilespmem:s16+$0x8900] =	vst v3;
	v3 =	vld [tilespmem:s16+$0x20];
	_ =	sdelay $0x1  }
0xf5: {  	v4 =	vld.idx.msk [tilespmem:v4+s11+$0x0], $0xffff;
	_ =	sdelay $0x4  }
0xf6: {  	v61 =	vld [tilespmem:s16+$0x30];
	[tilespmem:s16+$0x8910] =	vst v4  }
0xf7: {  	v3 =	vld.idx.msk [tilespmem:v3+s11+$0x0], $0xffff;
	_ =	sdelay $0x4  }
0xf8: {  	[tilespmem:s16+$0x8920] =	vst v3;
	v3 =	vld [tilespmem:s16+$0x40];
	_ =	sdelay $0x1  }
0xf9: {  	v4 =	vld.idx.msk [tilespmem:v61+s11+$0x0], $0xffff;
	_ =	sdelay $0x4  }
0xfa: {  	v62 =	vld [tilespmem:s16+$0x50];
	[tilespmem:s16+$0x8930] =	vst v4  }
0xfb: {  	v3 =	vld.idx.msk [tilespmem:v3+s11+$0x0], $0xffff;
	_ =	sdelay $0x4  }
0xfc: {  	[tilespmem:s16+$0x8940] =	vst v3;
	v3 =	vld [tilespmem:s16+$0x60];
	_ =	sdelay $0x1  }
0xfd: {  	v4 =	vld.idx.msk [tilespmem:v62+s11+$0x0], $0xffff;
	_ =	sdelay $0x3  }
0xfe: {  	v63 =	vld [tilespmem:s16+$0x70]  }
0xff: {  	[tilespmem:s16+$0x8950] =	vst v4  }
0x100: {  	v3 =	vld.idx.msk [tilespmem:v3+s11+$0x0], $0xffff;
	_ =	sdelay $0x4  }
0x101: {  	[tilespmem:s16+$0x8960] =	vst v3  }
0x102: {  	v3 =	vld.idx.msk [tilespmem:v63+s11+$0x0], $0xffff;
	_ =	sdelay $0x2  }
0x103: {  	s13 =	sadd.s32 $0x1, s13  }
0x104: {  	p1 =	sne.s32 s13, s8  }
.Ltmp6:
0x105: {  	[tilespmem:s16+$0x8970] =	vst v3;
	(pc) =	sbr.rel @p1 .LBB2_1-.Ltmp6, $4  }
0x106: {  	[hbm4b:s7+s2] =	stream.linear.scatter [tilespmem:s12], [sflag:$0x1], $0x3100, $0x38;
	[tilespmem:$0xBA00] =	vst v63  }
0x107: {  	_ =	swait.ge [sflag:s9], $0x3100  }
0x108: {  	[sflag:s9] =	ssyncset.done $0x0  }
0x109: {  	[sflag:s9] =	ssyncadd.s32 $0xFFFFCF00  }
0x10a: {  	_ =	sfence.sel $0x180000  }
0x10b: {  	[bflag:$0x0] =	sbarrier.arrive $0xFFFF  }
0x10c: {  	p0 =	sne.s32 s0, $0x0;
	_ =	strace $0x90000047  }
0x10d: {  	s0 =	sadd.s32 @!p0 $0x100000, s1;
	[bflag:$0x2] =	sbarrier.arrive $0xFFFF  }
0x10e: {  	[sflag:s0] =	ssyncadd.tile.s32 @!p0 $0x1;
	_ =	shalt  }
.Lfunc_end2:
_tile_overlayer_lowered:
.L_overlay_start_2:
0x10f: {  	(tag) =	ssettag $0x2  }
0x110: {  	s0 =	rddreg [dreg:$0x0];
	s2 =	stileid.u32  }
0x111: {  	s1 =	rddreg [dreg:$0x1];
	p0 =	sne.s32 s2, $0x0  }
0x112: {  	s3 =	rddreg [dreg:$0x2];
	[bflag:$0x3] =	sbarrier.arrive $0xFFFF;
	s2 =	simm.s32 @!p0 $0x1C01  }
0x113: {  	[timem:s3], [sflag:s2] =	dma.local @!p0 [hbm:s0], s1  }
0x114: {  	s0 =	simm.s32 @!p0 $0x1  }
0x115: {  	_ =	swait.ge @!p0 [sflag:s0], s1  }
0x116: {  	s1 =	ssub.s32 @!p0 $0x0, s1;
	[sflag:s0] =	ssyncset.done @!p0 $0x0  }
0x117: {  	[sflag:s0] =	ssyncadd.s32 @!p0 s1  }
0x118: {  	[bflag:$0x3] =	sbarrier.arrive $0xFFFF  }
0x119: {  	_ =	shalt  }

</sc_bundles>
